<compile_context>
chip_gen: v7x
topology: tpu7x:2x2x1
jax: 0.10.2.dev20260603
libtpu: 0.0.44.dev20260713+nightly
codegen_flags: <defaults>
</compile_context>

<pallas_src>
import functools

import jax
import jax.numpy as jnp
from jax import lax
from jax.experimental import pallas as pl
from jax.experimental.pallas import tpu as pltpu
from jax.experimental.pallas import tpu_sc as plsc

EPS = 1e-5
DP = 128

_info = plsc.get_sparse_core_info()
NC, NS, NL = _info.num_cores, _info.num_subcores, _info.num_lanes
NW = NC * NS


def _transpose_body(eye_ref, tv_ref, out_ref):
    x = tv_ref[...]
    h1 = x.astype(jnp.bfloat16)
    r1 = x - h1.astype(jnp.float32)
    h2 = r1.astype(jnp.bfloat16)
    r2 = r1 - h2.astype(jnp.float32)
    h3 = r2.astype(jnp.bfloat16)
    e = eye_ref[...]

    def t(p):
        return jax.lax.dot_general(
            p, e, (((0,), (0,)), ((), ())),
            preferred_element_type=jnp.float32)

    out_ref[...] = t(h1) + t(h2) + t(h3)


def _make_transpose(V, D, BV):
    return pl.pallas_call(
        _transpose_body,
        grid=(pl.cdiv(V, BV),),
        in_specs=[
            pl.BlockSpec((D, DP), lambda i: (0, 0)),
            pl.BlockSpec((D, BV), lambda i: (0, i)),
        ],
        out_specs=pl.BlockSpec((BV, DP), lambda i: (i, 0)),
        out_shape=jax.ShapeDtypeStruct((V, DP), jnp.float32),
        compiler_params=pltpu.CompilerParams(fuse_transposed_lhs_in_matmul=True),
    )


def _make_pool_kernel(B, S, D):
    B_PER_W = B // NW
    G = D // NL
    GP = DP // NL
    inv_s = 1.0 / S
    NBUF = 3
    UNROLL = 4

    mesh = plsc.VectorSubcoreMesh(core_axis_name="c", subcore_axis_name="s")

    @functools.partial(
        pl.kernel,
        mesh=mesh,
        out_type=jax.ShapeDtypeStruct((B, DP), jnp.float32),
        scratch_types=(
            [pltpu.VMEM((B_PER_W * S,), jnp.int32)]
            + [pltpu.VMEM((S, DP), jnp.float32) for _ in range(NBUF)]
            + [pltpu.VMEM((B_PER_W, DP), jnp.float32)]
            + [pltpu.SemaphoreType.DMA for _ in range(NBUF)]
        ),
    )
    def pool(idx_hbm, table_hbm, out_hbm, idx_v, *rest):
        bufs = rest[:NBUF]
        acc_v = rest[NBUF]
        sems = rest[NBUF + 1:]
        wid = lax.axis_index("s") * NC + lax.axis_index("c")
        pltpu.sync_copy(idx_hbm.at[wid], idx_v)

        zero = jnp.zeros((NL,), jnp.float32)

        def zbody(b, _):
            for g in range(GP):
                acc_v[b, pl.ds(g * NL, NL)] = zero
            return 0

        lax.fori_loop(0, B_PER_W, zbody, 0)

        for k in range(NBUF):
            pltpu.async_copy(
                table_hbm.at[idx_v.at[pl.ds(k * S, S)]], bufs[k], sems[k])

        def outer(c, _):
            k = lax.rem(c, NBUF)
            for kk in range(NBUF):

                @pl.when(k == kk)
                def _():
                    pltpu.make_async_copy(
                        table_hbm.at[idx_v.at[pl.ds(c * S, S)]],
                        bufs[kk], sems[kk]).wait()
                    buf = bufs[kk]

                    def red(j, carry):
                        s0 = j * UNROLL
                        out = list(carry)
                        for u in range(UNROLL):
                            for g in range(G):
                                a = (u % 2) * G + g
                                out[a] = out[a] + buf[s0 + u, pl.ds(g * NL, NL)]
                        return tuple(out)

                    parts = lax.fori_loop(0, S // UNROLL, red,
                                          tuple(zero for _ in range(2 * G)))
                    for g in range(G):
                        acc_v[c, pl.ds(g * NL, NL)] = (
                            (parts[g] + parts[G + g]) * inv_s)

                    @pl.when(c < B_PER_W - NBUF)
                    def _():
                        pltpu.async_copy(
                            table_hbm.at[idx_v.at[pl.ds((c + NBUF) * S, S)]],
                            bufs[kk], sems[kk])
            return 0

        lax.fori_loop(0, B_PER_W, outer, 0)
        pltpu.sync_copy(acc_v, out_hbm.at[pl.ds(wid * B_PER_W, B_PER_W)])

    return pool


def _fc_body(pooled_ref, w1t_ref, b1_ref, gamma_ref, beta_ref, rm_ref, rv_ref,
             w2t_ref, b2_ref, out_ref):
    h = jnp.dot(pooled_ref[...], w1t_ref[...],
                preferred_element_type=jnp.float32) + b1_ref[...]
    scale = gamma_ref[...] * lax.rsqrt(rv_ref[...] + EPS)
    h = (h - rm_ref[...]) * scale + beta_ref[...]
    h = jnp.maximum(h, 0.0)
    logits = jnp.dot(h, w2t_ref[...],
                     preferred_element_type=jnp.float32) + b2_ref[...]
    out_ref[...] = jax.nn.softmax(logits, axis=-1)


def _make_fc(B, H, LP, BB):
    full = lambda shape: pl.BlockSpec(shape, lambda i: (0,) * len(shape))
    return pl.pallas_call(
        _fc_body,
        grid=(B // BB,),
        in_specs=[
            pl.BlockSpec((BB, DP), lambda i: (i, 0)),
            full((DP, H)),
            full((1, H)),
            full((1, H)),
            full((1, H)),
            full((1, H)),
            full((1, H)),
            full((H, LP)),
            full((1, LP)),
        ],
        out_specs=pl.BlockSpec((BB, LP), lambda i: (i, 0)),
        out_shape=jax.ShapeDtypeStruct((B, LP), jnp.float32),
    )


def kernel(x, table, W1, b1, gamma, beta, rm, rv, W2, b2):
    B, S = x.shape
    V, D = table.shape
    H = W1.shape[0]
    L = W2.shape[0]

    eye_pad = jnp.eye(D, DP, dtype=jnp.bfloat16)
    table128 = _make_transpose(V, D, 6400)(eye_pad, table.T)

    idx = x.astype(jnp.int32).reshape(NW, (B // NW) * S)
    pooled = _make_pool_kernel(B, S, D)(idx, table128)

    LP = 128
    w1t = jnp.zeros((DP, H), jnp.float32).at[:D, :].set(W1.T)
    w2t = jnp.zeros((H, LP), jnp.float32).at[:, :L].set(W2.T)
    b2p = jnp.full((1, LP), -1e30, jnp.float32).at[0, :L].set(b2)

    probs = _make_fc(B, H, LP, 512)(
        pooled, w1t, b1.reshape(1, H), gamma.reshape(1, H),
        beta.reshape(1, H), rm.reshape(1, H), rv.reshape(1, H), w2t, b2p)
    return probs[:, :L]

# --- scband reference (transcript-rebuilt; emitter-appended) ---
"""Pipeline reference for scband-fast-text-net-87153476370874 (READ-ONLY COPY).

The authoritative reference and input builder live on the scoring server;
editing this copy changes nothing except your own understanding.
"""

import jax, jax.numpy as jnp
import numpy as np

V = 1000000  # vocab
D = 64       # embed_dim
H = 256      # hidden_size
L = 14       # num_labels
B = 4096     # batch
S = 200      # hist_len
EPS = 1e-5


def setup_inputs(seed: int = 0) -> dict:
    key = jax.random.key(seed)
    ks = jax.random.split(key, 6)
    x = jax.random.randint(ks[0], (B, S), 0, V, dtype=jnp.int64) if jax.config.jax_enable_x64 else jax.random.randint(ks[0], (B, S), 0, V, dtype=jnp.int32)
    table = jax.random.normal(ks[1], (V, D), dtype=jnp.float32) * 0.02
    W1 = jax.random.normal(ks[2], (H, D), dtype=jnp.float32) * (1.0 / np.sqrt(D))
    b1 = jnp.zeros((H,), dtype=jnp.float32)
    gamma = jnp.ones((H,), dtype=jnp.float32)
    beta = jnp.zeros((H,), dtype=jnp.float32)
    rm = jnp.zeros((H,), dtype=jnp.float32)   # BatchNorm running_mean (buffer)
    rv = jnp.ones((H,), dtype=jnp.float32)    # BatchNorm running_var (buffer)
    W2 = jax.random.normal(ks[3], (L, H), dtype=jnp.float32) * (1.0 / np.sqrt(H))
    b2 = jnp.zeros((L,), dtype=jnp.float32)
    return {"x": x, "table": table, "W1": W1, "b1": b1, "gamma": gamma, "beta": beta, "rm": rm, "rv": rv, "W2": W2, "b2": b2}


def reference(x, table, W1, b1, gamma, beta, rm, rv, W2, b2):
    # Embedding lookup: [B, S] -> [B, S, D]
    emb = jnp.take(table, x, axis=0)
    # Mean pooling over sequence dim
    out = emb.mean(axis=1)  # [B, D]
    # Dropout is identity in eval mode
    # fc: Linear -> BatchNorm1d (eval, running stats) -> ReLU -> Linear -> Softmax
    h = out @ W1.T + b1                              # [B, H]
    h = (h - rm) / jnp.sqrt(rv + EPS) * gamma + beta  # BatchNorm1d eval
    h = jnp.maximum(h, 0.0)                           # ReLU
    logits = h @ W2.T + b2                            # [B, L]
    return jax.nn.softmax(logits, axis=1)

if __name__ == "__main__":
    import jax
    _d = setup_inputs()
    print(jax.jit(kernel)(*tuple(_d.values())))

</pallas_src>

<mosaic_0001>
#map = affine_map<(d0, d1) -> (0, 0)>
module attributes {stable_mosaic.version = 14 : i64} {
  func.func @pool(%arg0: i32, %arg1: i32, %arg2: memref<32x25600xi32, #tpu.memory_space<hbm>>, %arg3: memref<1000000x128xf32, #tpu.memory_space<hbm>>, %arg4: memref<4096x128xf32, #tpu.memory_space<hbm>>, %arg5: memref<25600xi32, #tpu.memory_space<vmem>>, %arg6: memref<200x128xf32, #tpu.memory_space<vmem>>, %arg7: memref<200x128xf32, #tpu.memory_space<vmem>>, %arg8: memref<200x128xf32, #tpu.memory_space<vmem>>, %arg9: memref<128x128xf32, #tpu.memory_space<vmem>>, %arg10: memref<!tpu.dma_semaphore, #tpu.memory_space<semaphore_mem>>, %arg11: memref<!tpu.dma_semaphore, #tpu.memory_space<semaphore_mem>>, %arg12: memref<!tpu.dma_semaphore, #tpu.memory_space<semaphore_mem>>) attributes {dimension_semantics = [#tpu.dimension_semantics<core_parallel>, #tpu.dimension_semantics<subcore_parallel>], iteration_bounds = array<i64: 2, 16>, scalar_prefetch = 0 : i64, scratch_operands = 8 : i64, tpu.core_type = #tpu.core_type<sc_vector_subcore>, window_params = [{transform_indices = #map}, {transform_indices = #map}, {transform_indices = #map}]} {
    %mul3A = arith.constant 2 : i32
    %mul3A_0 = arith.muli %arg1, %mul3A : i32
    %add3A = arith.addi %mul3A_0, %arg0 : i32
    "tpu.region"() ({
      %run_scoped3A = tpu.sem_alloc : memref<!tpu.dma_semaphore, #tpu.memory_space<semaphore_mem>>
      %dma_start3A_31 = arith.constant 0 : i32
      %dma_start3A_32 = tpu.memref_slice %arg2[%add3A, %dma_start3A_31] : memref<32x25600xi32, #tpu.memory_space<hbm>> -> memref<1x25600xi32, #tpu.memory_space<hbm>>
      %dma_start3A_33 = tpu.memref_squeeze %dma_start3A_32 : memref<1x25600xi32, #tpu.memory_space<hbm>> -> memref<25600xi32, #tpu.memory_space<hbm>>
      %dma_start3A_34 = arith.constant 0 : i32
      %dma_start3A_35 = tpu.memref_slice %arg2[%add3A, %dma_start3A_34] : memref<32x25600xi32, #tpu.memory_space<hbm>> -> memref<1x25600xi32, #tpu.memory_space<hbm>>
      %dma_start3A_36 = tpu.memref_squeeze %dma_start3A_35 : memref<1x25600xi32, #tpu.memory_space<hbm>> -> memref<25600xi32, #tpu.memory_space<hbm>>
      tpu.enqueue_dma source(%dma_start3A_36 : memref<25600xi32, #tpu.memory_space<hbm>>) target(%arg5 : memref<25600xi32, #tpu.memory_space<vmem>>) target_semaphore(%run_scoped3A : memref<!tpu.dma_semaphore, #tpu.memory_space<semaphore_mem>>)
      %dma_wait3A = arith.constant 0 : i32
      %dma_wait3A_37 = tpu.memref_slice %arg2[%add3A, %dma_wait3A] : memref<32x25600xi32, #tpu.memory_space<hbm>> -> memref<1x25600xi32, #tpu.memory_space<hbm>>
      %dma_wait3A_38 = tpu.memref_squeeze %dma_wait3A_37 : memref<1x25600xi32, #tpu.memory_space<hbm>> -> memref<25600xi32, #tpu.memory_space<hbm>>
      %dma_wait3A_39 = arith.constant 0 : i32
      %dma_wait3A_40 = tpu.memref_slice %arg2[%add3A, %dma_wait3A_39] : memref<32x25600xi32, #tpu.memory_space<hbm>> -> memref<1x25600xi32, #tpu.memory_space<hbm>>
      %dma_wait3A_41 = tpu.memref_squeeze %dma_wait3A_40 : memref<1x25600xi32, #tpu.memory_space<hbm>> -> memref<25600xi32, #tpu.memory_space<hbm>>
      tpu.wait_dma2 semaphore(%run_scoped3A : memref<!tpu.dma_semaphore, #tpu.memory_space<semaphore_mem>>) src(%dma_wait3A_41 : memref<25600xi32, #tpu.memory_space<hbm>>) dst(%arg5 : memref<25600xi32, #tpu.memory_space<vmem>>)
      tpu.yield
    }) : () -> ()
    %broadcast_in_dim3A = arith.constant 0.000000e+00 : f32
    %broadcast_in_dim3A_1 = vector.broadcast %broadcast_in_dim3A : f32 to vector<16xf32>
    %scan3A = arith.constant 0 : i32
    %scan3A_2 = arith.constant 0 : i32
    %scan3A_3 = arith.constant 128 : i32
    %scan3A_4 = arith.addi %scan3A_2, %scan3A_3 : i32
    %scan3A_5 = arith.constant 1 : i32
    %scan3A_6 = scf.for %scan3A_31 = %scan3A_2 to %scan3A_4 step %scan3A_5 iter_args(%scan3A_32 = %scan3A) -> (i32)  : i32 {
      %swap3A = arith.index_cast %scan3A_31 : i32 to index
      %swap3A_33 = arith.constant 0 : index
      %swap3A_34 = tpu.vector_load %arg9[%swap3A, %swap3A_33] {strides = array<i32>} : memref<128x128xf32, #tpu.memory_space<vmem>>, vector<1x16xf32>,
      %swap3A_35 = vector.shape_cast %swap3A_34 : vector<1x16xf32> to vector<16xf32>
      %swap3A_36 = vector.shape_cast %broadcast_in_dim3A_1 : vector<16xf32> to vector<1x16xf32>
      tpu.vector_store %arg9[%swap3A, %swap3A_33], %swap3A_36 {strides = array<i32>} : memref<128x128xf32, #tpu.memory_space<vmem>>, vector<1x16xf32>,
      %swap3A_37 = arith.index_cast %scan3A_31 : i32 to index
      %swap3A_38 = arith.constant 16 : index
      %swap3A_39 = tpu.vector_load %arg9[%swap3A_37, %swap3A_38] {strides = array<i32>} : memref<128x128xf32, #tpu.memory_space<vmem>>, vector<1x16xf32>,
      %swap3A_40 = vector.shape_cast %swap3A_39 : vector<1x16xf32> to vector<16xf32>
      %swap3A_41 = vector.shape_cast %broadcast_in_dim3A_1 : vector<16xf32> to vector<1x16xf32>
      tpu.vector_store %arg9[%swap3A_37, %swap3A_38], %swap3A_41 {strides = array<i32>} : memref<128x128xf32, #tpu.memory_space<vmem>>, vector<1x16xf32>,
      %swap3A_42 = arith.index_cast %scan3A_31 : i32 to index
      %swap3A_43 = arith.constant 32 : index
      %swap3A_44 = tpu.vector_load %arg9[%swap3A_42, %swap3A_43] {strides = array<i32>} : memref<128x128xf32, #tpu.memory_space<vmem>>, vector<1x16xf32>,
      %swap3A_45 = vector.shape_cast %swap3A_44 : vector<1x16xf32> to vector<16xf32>
      %swap3A_46 = vector.shape_cast %broadcast_in_dim3A_1 : vector<16xf32> to vector<1x16xf32>
      tpu.vector_store %arg9[%swap3A_42, %swap3A_43], %swap3A_46 {strides = array<i32>} : memref<128x128xf32, #tpu.memory_space<vmem>>, vector<1x16xf32>,
      %swap3A_47 = arith.index_cast %scan3A_31 : i32 to index
      %swap3A_48 = arith.constant 48 : index
      %swap3A_49 = tpu.vector_load %arg9[%swap3A_47, %swap3A_48] {strides = array<i32>} : memref<128x128xf32, #tpu.memory_space<vmem>>, vector<1x16xf32>,
      %swap3A_50 = vector.shape_cast %swap3A_49 : vector<1x16xf32> to vector<16xf32>
      %swap3A_51 = vector.shape_cast %broadcast_in_dim3A_1 : vector<16xf32> to vector<1x16xf32>
      tpu.vector_store %arg9[%swap3A_47, %swap3A_48], %swap3A_51 {strides = array<i32>} : memref<128x128xf32, #tpu.memory_space<vmem>>, vector<1x16xf32>,
      %swap3A_52 = arith.index_cast %scan3A_31 : i32 to index
      %swap3A_53 = arith.constant 64 : index
      %swap3A_54 = tpu.vector_load %arg9[%swap3A_52, %swap3A_53] {strides = array<i32>} : memref<128x128xf32, #tpu.memory_space<vmem>>, vector<1x16xf32>,
      %swap3A_55 = vector.shape_cast %swap3A_54 : vector<1x16xf32> to vector<16xf32>
      %swap3A_56 = vector.shape_cast %broadcast_in_dim3A_1 : vector<16xf32> to vector<1x16xf32>
      tpu.vector_store %arg9[%swap3A_52, %swap3A_53], %swap3A_56 {strides = array<i32>} : memref<128x128xf32, #tpu.memory_space<vmem>>, vector<1x16xf32>,
      %swap3A_57 = arith.index_cast %scan3A_31 : i32 to index
      %swap3A_58 = arith.constant 80 : index
      %swap3A_59 = tpu.vector_load %arg9[%swap3A_57, %swap3A_58] {strides = array<i32>} : memref<128x128xf32, #tpu.memory_space<vmem>>, vector<1x16xf32>,
      %swap3A_60 = vector.shape_cast %swap3A_59 : vector<1x16xf32> to vector<16xf32>
      %swap3A_61 = vector.shape_cast %broadcast_in_dim3A_1 : vector<16xf32> to vector<1x16xf32>
      tpu.vector_store %arg9[%swap3A_57, %swap3A_58], %swap3A_61 {strides = array<i32>} : memref<128x128xf32, #tpu.memory_space<vmem>>, vector<1x16xf32>,
      %swap3A_62 = arith.index_cast %scan3A_31 : i32 to index
      %swap3A_63 = arith.constant 96 : index
      %swap3A_64 = tpu.vector_load %arg9[%swap3A_62, %swap3A_63] {strides = array<i32>} : memref<128x128xf32, #tpu.memory_space<vmem>>, vector<1x16xf32>,
      %swap3A_65 = vector.shape_cast %swap3A_64 : vector<1x16xf32> to vector<16xf32>
      %swap3A_66 = vector.shape_cast %broadcast_in_dim3A_1 : vector<16xf32> to vector<1x16xf32>
      tpu.vector_store %arg9[%swap3A_62, %swap3A_63], %swap3A_66 {strides = array<i32>} : memref<128x128xf32, #tpu.memory_space<vmem>>, vector<1x16xf32>,
      %swap3A_67 = arith.index_cast %scan3A_31 : i32 to index
      %swap3A_68 = arith.constant 112 : index
      %swap3A_69 = tpu.vector_load %arg9[%swap3A_67, %swap3A_68] {strides = array<i32>} : memref<128x128xf32, #tpu.memory_space<vmem>>, vector<1x16xf32>,
      %swap3A_70 = vector.shape_cast %swap3A_69 : vector<1x16xf32> to vector<16xf32>
      %swap3A_71 = vector.shape_cast %broadcast_in_dim3A_1 : vector<16xf32> to vector<1x16xf32>
      tpu.vector_store %arg9[%swap3A_67, %swap3A_68], %swap3A_71 {strides = array<i32>} : memref<128x128xf32, #tpu.memory_space<vmem>>, vector<1x16xf32>,
      %scan3A_72 = arith.constant 0 : i32
      scf.yield %scan3A_72 : i32
    }
    %scan3A_7 = arith.constant 128 : i32
    %dma_start3A = arith.constant 0 : i32
    %dma_start3A_8 = tpu.memref_slice %arg5[%dma_start3A] : memref<25600xi32, #tpu.memory_space<vmem>> -> memref<200xi32, #tpu.memory_space<vmem>>
    %dma_start3A_9 = arith.constant 0 : i32
    %dma_start3A_10 = arith.constant 0 : i32
    %dma_start3A_11 = tpu.memref_slice %arg3[%dma_start3A_9, %dma_start3A_10] : memref<1000000x128xf32, #tpu.memory_space<hbm>> -> memref<1000000x128xf32, #tpu.memory_space<hbm>>
    tpu.enqueue_indirect_dma source(%dma_start3A_11 : memref<1000000x128xf32, #tpu.memory_space<hbm>>) target(%arg6 : memref<200x128xf32, #tpu.memory_space<vmem>>) offsets(%dma_start3A_8 : memref<200xi32, #tpu.memory_space<vmem>>) semaphore(%arg10 : memref<!tpu.dma_semaphore, #tpu.memory_space<semaphore_mem>>)
    %dma_start3A_12 = arith.constant 200 : i32
    %dma_start3A_13 = tpu.memref_slice %arg5[%dma_start3A_12] : memref<25600xi32, #tpu.memory_space<vmem>> -> memref<200xi32, #tpu.memory_space<vmem>>
    %dma_start3A_14 = arith.constant 0 : i32
    %dma_start3A_15 = arith.constant 0 : i32
    %dma_start3A_16 = tpu.memref_slice %arg3[%dma_start3A_14, %dma_start3A_15] : memref<1000000x128xf32, #tpu.memory_space<hbm>> -> memref<1000000x128xf32, #tpu.memory_space<hbm>>
    tpu.enqueue_indirect_dma source(%dma_start3A_16 : memref<1000000x128xf32, #tpu.memory_space<hbm>>) target(%arg7 : memref<200x128xf32, #tpu.memory_space<vmem>>) offsets(%dma_start3A_13 : memref<200xi32, #tpu.memory_space<vmem>>) semaphore(%arg11 : memref<!tpu.dma_semaphore, #tpu.memory_space<semaphore_mem>>)
    %dma_start3A_17 = arith.constant 400 : i32
    %dma_start3A_18 = tpu.memref_slice %arg5[%dma_start3A_17] : memref<25600xi32, #tpu.memory_space<vmem>> -> memref<200xi32, #tpu.memory_space<vmem>>
    %dma_start3A_19 = arith.constant 0 : i32
    %dma_start3A_20 = arith.constant 0 : i32
    %dma_start3A_21 = tpu.memref_slice %arg3[%dma_start3A_19, %dma_start3A_20] : memref<1000000x128xf32, #tpu.memory_space<hbm>> -> memref<1000000x128xf32, #tpu.memory_space<hbm>>
    tpu.enqueue_indirect_dma source(%dma_start3A_21 : memref<1000000x128xf32, #tpu.memory_space<hbm>>) target(%arg8 : memref<200x128xf32, #tpu.memory_space<vmem>>) offsets(%dma_start3A_18 : memref<200xi32, #tpu.memory_space<vmem>>) semaphore(%arg12 : memref<!tpu.dma_semaphore, #tpu.memory_space<semaphore_mem>>)
    %scan3A_22 = arith.constant 0 : i32
    %scan3A_23 = arith.constant 0 : i32
    %scan3A_24 = arith.constant 128 : i32
    %scan3A_25 = arith.addi %scan3A_23, %scan3A_24 : i32
    %scan3A_26 = arith.constant 1 : i32
    %scan3A_27 = scf.for %scan3A_31 = %scan3A_23 to %scan3A_25 step %scan3A_26 iter_args(%scan3A_32 = %scan3A_22) -> (i32)  : i32 {
      %rem3A = arith.constant 3 : i32
      %rem3A_33 = arith.remsi %scan3A_31, %rem3A : i32
      %eq3A = arith.constant 0 : i32
      %eq3A_34 = arith.cmpi eq, %rem3A_33, %eq3A : i32
      %convert_element_type3A = arith.extui %eq3A_34 : i1 to i32
      %cond3A = arith.constant 0 : i32
      %cond3A_35 = arith.cmpi ne, %convert_element_type3A, %cond3A : i32
      scf.if %cond3A_35 {
        %mul3A_47 = arith.constant 200 : i32
        %mul3A_48 = arith.muli %scan3A_31, %mul3A_47 : i32
        %dma_wait3A = tpu.memref_slice %arg5[%mul3A_48] : memref<25600xi32, #tpu.memory_space<vmem>> -> memref<200xi32, #tpu.memory_space<vmem>>
        %dma_wait3A_49 = arith.constant 0 : i32
        %dma_wait3A_50 = arith.constant 0 : i32
        %dma_wait3A_51 = tpu.memref_slice %arg3[%dma_wait3A_49, %dma_wait3A_50] : memref<1000000x128xf32, #tpu.memory_space<hbm>> -> memref<1000000x128xf32, #tpu.memory_space<hbm>>
        tpu.wait_indirect_dma semaphore(%arg10 : memref<!tpu.dma_semaphore, #tpu.memory_space<semaphore_mem>>) src(%dma_wait3A_51 : memref<1000000x128xf32, #tpu.memory_space<hbm>>) dst(%arg6 : memref<200x128xf32, #tpu.memory_space<vmem>>)
        %scan3A_52 = arith.constant 0 : i32
        %scan3A_53 = arith.constant 50 : i32
        %scan3A_54 = arith.addi %scan3A_52, %scan3A_53 : i32
        %scan3A_55 = arith.constant 1 : i32
        %scan3A_56:8 = scf.for %scan3A_97 = %scan3A_52 to %scan3A_54 step %scan3A_55 iter_args(%scan3A_98 = %broadcast_in_dim3A_1, %scan3A_99 = %broadcast_in_dim3A_1, %scan3A_100 = %broadcast_in_dim3A_1, %scan3A_101 = %broadcast_in_dim3A_1, %scan3A_102 = %broadcast_in_dim3A_1, %scan3A_103 = %broadcast_in_dim3A_1, %scan3A_104 = %broadcast_in_dim3A_1, %scan3A_105 = %broadcast_in_dim3A_1) -> (vector<16xf32>, vector<16xf32>, vector<16xf32>, vector<16xf32>, vector<16xf32>, vector<16xf32>, vector<16xf32>, vector<16xf32>)  : i32 {
          %mul3A_106 = arith.constant 4 : i32
          %mul3A_107 = arith.muli %scan3A_97, %mul3A_106 : i32
          %add3A_108 = arith.constant 0 : i32
          %add3A_109 = arith.addi %mul3A_107, %add3A_108 : i32
          %get3A = arith.index_cast %add3A_109 : i32 to index
          %get3A_110 = arith.constant 0 : index
          %get3A_111 = tpu.vector_load %arg6[%get3A, %get3A_110] {strides = array<i32>} : memref<200x128xf32, #tpu.memory_space<vmem>>, vector<1x16xf32>,
          %get3A_112 = vector.shape_cast %get3A_111 : vector<1x16xf32> to vector<16xf32>
          %add3A_113 = arith.addf %scan3A_98, %get3A_112 : vector<16xf32>
          %add3A_114 = arith.constant 0 : i32
          %add3A_115 = arith.addi %mul3A_107, %add3A_114 : i32
          %get3A_116 = arith.index_cast %add3A_115 : i32 to index
          %get3A_117 = arith.constant 16 : index
          %get3A_118 = tpu.vector_load %arg6[%get3A_116, %get3A_117] {strides = array<i32>} : memref<200x128xf32, #tpu.memory_space<vmem>>, vector<1x16xf32>,
          %get3A_119 = vector.shape_cast %get3A_118 : vector<1x16xf32> to vector<16xf32>
          %add3A_120 = arith.addf %scan3A_99, %get3A_119 : vector<16xf32>
          %add3A_121 = arith.constant 0 : i32
          %add3A_122 = arith.addi %mul3A_107, %add3A_121 : i32
          %get3A_123 = arith.index_cast %add3A_122 : i32 to index
          %get3A_124 = arith.constant 32 : index
          %get3A_125 = tpu.vector_load %arg6[%get3A_123, %get3A_124] {strides = array<i32>} : memref<200x128xf32, #tpu.memory_space<vmem>>, vector<1x16xf32>,
          %get3A_126 = vector.shape_cast %get3A_125 : vector<1x16xf32> to vector<16xf32>
          %add3A_127 = arith.addf %scan3A_100, %get3A_126 : vector<16xf32>
          %add3A_128 = arith.constant 0 : i32
          %add3A_129 = arith.addi %mul3A_107, %add3A_128 : i32
          %get3A_130 = arith.index_cast %add3A_129 : i32 to index
          %get3A_131 = arith.constant 48 : index
          %get3A_132 = tpu.vector_load %arg6[%get3A_130, %get3A_131] {strides = array<i32>} : memref<200x128xf32, #tpu.memory_space<vmem>>, vector<1x16xf32>,
          %get3A_133 = vector.shape_cast %get3A_132 : vector<1x16xf32> to vector<16xf32>
          %add3A_134 = arith.addf %scan3A_101, %get3A_133 : vector<16xf32>
          %add3A_135 = arith.constant 1 : i32
          %add3A_136 = arith.addi %mul3A_107, %add3A_135 : i32
          %get3A_137 = arith.index_cast %add3A_136 : i32 to index
          %get3A_138 = arith.constant 0 : index
          %get3A_139 = tpu.vector_load %arg6[%get3A_137, %get3A_138] {strides = array<i32>} : memref<200x128xf32, #tpu.memory_space<vmem>>, vector<1x16xf32>,
          %get3A_140 = vector.shape_cast %get3A_139 : vector<1x16xf32> to vector<16xf32>
          %add3A_141 = arith.addf %scan3A_102, %get3A_140 : vector<16xf32>
          %add3A_142 = arith.constant 1 : i32
          %add3A_143 = arith.addi %mul3A_107, %add3A_142 : i32
          %get3A_144 = arith.index_cast %add3A_143 : i32 to index
          %get3A_145 = arith.constant 16 : index
          %get3A_146 = tpu.vector_load %arg6[%get3A_144, %get3A_145] {strides = array<i32>} : memref<200x128xf32, #tpu.memory_space<vmem>>, vector<1x16xf32>,
          %get3A_147 = vector.shape_cast %get3A_146 : vector<1x16xf32> to vector<16xf32>
          %add3A_148 = arith.addf %scan3A_103, %get3A_147 : vector<16xf32>
          %add3A_149 = arith.constant 1 : i32
          %add3A_150 = arith.addi %mul3A_107, %add3A_149 : i32
          %get3A_151 = arith.index_cast %add3A_150 : i32 to index
          %get3A_152 = arith.constant 32 : index
          %get3A_153 = tpu.vector_load %arg6[%get3A_151, %get3A_152] {strides = array<i32>} : memref<200x128xf32, #tpu.memory_space<vmem>>, vector<1x16xf32>,
          %get3A_154 = vector.shape_cast %get3A_153 : vector<1x16xf32> to vector<16xf32>
          %add3A_155 = arith.addf %scan3A_104, %get3A_154 : vector<16xf32>
          %add3A_156 = arith.constant 1 : i32
          %add3A_157 = arith.addi %mul3A_107, %add3A_156 : i32
          %get3A_158 = arith.index_cast %add3A_157 : i32 to index
          %get3A_159 = arith.constant 48 : index
          %get3A_160 = tpu.vector_load %arg6[%get3A_158, %get3A_159] {strides = array<i32>} : memref<200x128xf32, #tpu.memory_space<vmem>>, vector<1x16xf32>,
          %get3A_161 = vector.shape_cast %get3A_160 : vector<1x16xf32> to vector<16xf32>
          %add3A_162 = arith.addf %scan3A_105, %get3A_161 : vector<16xf32>
          %add3A_163 = arith.constant 2 : i32
          %add3A_164 = arith.addi %mul3A_107, %add3A_163 : i32
          %get3A_165 = arith.index_cast %add3A_164 : i32 to index
          %get3A_166 = arith.constant 0 : index
          %get3A_167 = tpu.vector_load %arg6[%get3A_165, %get3A_166] {strides = array<i32>} : memref<200x128xf32, #tpu.memory_space<vmem>>, vector<1x16xf32>,
          %get3A_168 = vector.shape_cast %get3A_167 : vector<1x16xf32> to vector<16xf32>
          %add3A_169 = arith.addf %add3A_113, %get3A_168 : vector<16xf32>
          %add3A_170 = arith.constant 2 : i32
          %add3A_171 = arith.addi %mul3A_107, %add3A_170 : i32
          %get3A_172 = arith.index_cast %add3A_171 : i32 to index
          %get3A_173 = arith.constant 16 : index
          %get3A_174 = tpu.vector_load %arg6[%get3A_172, %get3A_173] {strides = array<i32>} : memref<200x128xf32, #tpu.memory_space<vmem>>, vector<1x16xf32>,
          %get3A_175 = vector.shape_cast %get3A_174 : vector<1x16xf32> to vector<16xf32>
          %add3A_176 = arith.addf %add3A_120, %get3A_175 : vector<16xf32>
          %add3A_177 = arith.constant 2 : i32
          %add3A_178 = arith.addi %mul3A_107, %add3A_177 : i32
          %get3A_179 = arith.index_cast %add3A_178 : i32 to index
          %get3A_180 = arith.constant 32 : index
          %get3A_181 = tpu.vector_load %arg6[%get3A_179, %get3A_180] {strides = array<i32>} : memref<200x128xf32, #tpu.memory_space<vmem>>, vector<1x16xf32>,
          %get3A_182 = vector.shape_cast %get3A_181 : vector<1x16xf32> to vector<16xf32>
          %add3A_183 = arith.addf %add3A_127, %get3A_182 : vector<16xf32>
          %add3A_184 = arith.constant 2 : i32
          %add3A_185 = arith.addi %mul3A_107, %add3A_184 : i32
          %get3A_186 = arith.index_cast %add3A_185 : i32 to index
          %get3A_187 = arith.constant 48 : index
          %get3A_188 = tpu.vector_load %arg6[%get3A_186, %get3A_187] {strides = array<i32>} : memref<200x128xf32, #tpu.memory_space<vmem>>, vector<1x16xf32>,
          %get3A_189 = vector.shape_cast %get3A_188 : vector<1x16xf32> to vector<16xf32>
          %add3A_190 = arith.addf %add3A_134, %get3A_189 : vector<16xf32>
          %add3A_191 = arith.constant 3 : i32
          %add3A_192 = arith.addi %mul3A_107, %add3A_191 : i32
          %get3A_193 = arith.index_cast %add3A_192 : i32 to index
          %get3A_194 = arith.constant 0 : index
          %get3A_195 = tpu.vector_load %arg6[%get3A_193, %get3A_194] {strides = array<i32>} : memref<200x128xf32, #tpu.memory_space<vmem>>, vector<1x16xf32>,
          %get3A_196 = vector.shape_cast %get3A_195 : vector<1x16xf32> to vector<16xf32>
          %add3A_197 = arith.addf %add3A_141, %get3A_196 : vector<16xf32>
          %add3A_198 = arith.constant 3 : i32
          %add3A_199 = arith.addi %mul3A_107, %add3A_198 : i32
          %get3A_200 = arith.index_cast %add3A_199 : i32 to index
          %get3A_201 = arith.constant 16 : index
          %get3A_202 = tpu.vector_load %arg6[%get3A_200, %get3A_201] {strides = array<i32>} : memref<200x128xf32, #tpu.memory_space<vmem>>, vector<1x16xf32>,
          %get3A_203 = vector.shape_cast %get3A_202 : vector<1x16xf32> to vector<16xf32>
          %add3A_204 = arith.addf %add3A_148, %get3A_203 : vector<16xf32>
          %add3A_205 = arith.constant 3 : i32
          %add3A_206 = arith.addi %mul3A_107, %add3A_205 : i32
          %get3A_207 = arith.index_cast %add3A_206 : i32 to index
          %get3A_208 = arith.constant 32 : index
          %get3A_209 = tpu.vector_load %arg6[%get3A_207, %get3A_208] {strides = array<i32>} : memref<200x128xf32, #tpu.memory_space<vmem>>, vector<1x16xf32>,
          %get3A_210 = vector.shape_cast %get3A_209 : vector<1x16xf32> to vector<16xf32>
          %add3A_211 = arith.addf %add3A_155, %get3A_210 : vector<16xf32>
          %add3A_212 = arith.constant 3 : i32
          %add3A_213 = arith.addi %mul3A_107, %add3A_212 : i32
          %get3A_214 = arith.index_cast %add3A_213 : i32 to index
          %get3A_215 = arith.constant 48 : index
          %get3A_216 = tpu.vector_load %arg6[%get3A_214, %get3A_215] {strides = array<i32>} : memref<200x128xf32, #tpu.memory_space<vmem>>, vector<1x16xf32>,
          %get3A_217 = vector.shape_cast %get3A_216 : vector<1x16xf32> to vector<16xf32>
          %add3A_218 = arith.addf %add3A_162, %get3A_217 : vector<16xf32>
          scf.yield %add3A_169, %add3A_176, %add3A_183, %add3A_190, %add3A_197, %add3A_204, %add3A_211, %add3A_218 : vector<16xf32>, vector<16xf32>, vector<16xf32>, vector<16xf32>, vector<16xf32>, vector<16xf32>, vector<16xf32>, vector<16xf32>
        }
        %scan3A_57 = arith.constant 50 : i32
        %add3A_58 = arith.addf %scan3A_56#0, %scan3A_56#4 : vector<16xf32>
        %mul3A_59 = arith.constant 5.000000e-03 : f32
        %mul3A_60 = vector.broadcast %mul3A_59 : f32 to vector<16xf32>
        %mul3A_61 = arith.mulf %add3A_58, %mul3A_60 : vector<16xf32>
        %swap3A = arith.index_cast %scan3A_31 : i32 to index
        %swap3A_62 = arith.constant 0 : index
        %swap3A_63 = tpu.vector_load %arg9[%swap3A, %swap3A_62] {strides = array<i32>} : memref<128x128xf32, #tpu.memory_space<vmem>>, vector<1x16xf32>,
        %swap3A_64 = vector.shape_cast %swap3A_63 : vector<1x16xf32> to vector<16xf32>
        %swap3A_65 = vector.shape_cast %mul3A_61 : vector<16xf32> to vector<1x16xf32>
        tpu.vector_store %arg9[%swap3A, %swap3A_62], %swap3A_65 {strides = array<i32>} : memref<128x128xf32, #tpu.memory_space<vmem>>, vector<1x16xf32>,
        %add3A_66 = arith.addf %scan3A_56#1, %scan3A_56#5 : vector<16xf32>
        %mul3A_67 = arith.constant 5.000000e-03 : f32
        %mul3A_68 = vector.broadcast %mul3A_67 : f32 to vector<16xf32>
        %mul3A_69 = arith.mulf %add3A_66, %mul3A_68 : vector<16xf32>
        %swap3A_70 = arith.index_cast %scan3A_31 : i32 to index
        %swap3A_71 = arith.constant 16 : index
        %swap3A_72 = tpu.vector_load %arg9[%swap3A_70, %swap3A_71] {strides = array<i32>} : memref<128x128xf32, #tpu.memory_space<vmem>>, vector<1x16xf32>,
        %swap3A_73 = vector.shape_cast %swap3A_72 : vector<1x16xf32> to vector<16xf32>
        %swap3A_74 = vector.shape_cast %mul3A_69 : vector<16xf32> to vector<1x16xf32>
        tpu.vector_store %arg9[%swap3A_70, %swap3A_71], %swap3A_74 {strides = array<i32>} : memref<128x128xf32, #tpu.memory_space<vmem>>, vector<1x16xf32>,
        %add3A_75 = arith.addf %scan3A_56#2, %scan3A_56#6 : vector<16xf32>
        %mul3A_76 = arith.constant 5.000000e-03 : f32
        %mul3A_77 = vector.broadcast %mul3A_76 : f32 to vector<16xf32>
        %mul3A_78 = arith.mulf %add3A_75, %mul3A_77 : vector<16xf32>
        %swap3A_79 = arith.index_cast %scan3A_31 : i32 to index
        %swap3A_80 = arith.constant 32 : index
        %swap3A_81 = tpu.vector_load %arg9[%swap3A_79, %swap3A_80] {strides = array<i32>} : memref<128x128xf32, #tpu.memory_space<vmem>>, vector<1x16xf32>,
        %swap3A_82 = vector.shape_cast %swap3A_81 : vector<1x16xf32> to vector<16xf32>
        %swap3A_83 = vector.shape_cast %mul3A_78 : vector<16xf32> to vector<1x16xf32>
        tpu.vector_store %arg9[%swap3A_79, %swap3A_80], %swap3A_83 {strides = array<i32>} : memref<128x128xf32, #tpu.memory_space<vmem>>, vector<1x16xf32>,
        %add3A_84 = arith.addf %scan3A_56#3, %scan3A_56#7 : vector<16xf32>
        %mul3A_85 = arith.constant 5.000000e-03 : f32
        %mul3A_86 = vector.broadcast %mul3A_85 : f32 to vector<16xf32>
        %mul3A_87 = arith.mulf %add3A_84, %mul3A_86 : vector<16xf32>
        %swap3A_88 = arith.index_cast %scan3A_31 : i32 to index
        %swap3A_89 = arith.constant 48 : index
        %swap3A_90 = tpu.vector_load %arg9[%swap3A_88, %swap3A_89] {strides = array<i32>} : memref<128x128xf32, #tpu.memory_space<vmem>>, vector<1x16xf32>,
        %swap3A_91 = vector.shape_cast %swap3A_90 : vector<1x16xf32> to vector<16xf32>
        %swap3A_92 = vector.shape_cast %mul3A_87 : vector<16xf32> to vector<1x16xf32>
        tpu.vector_store %arg9[%swap3A_88, %swap3A_89], %swap3A_92 {strides = array<i32>} : memref<128x128xf32, #tpu.memory_space<vmem>>, vector<1x16xf32>,
        %lt3A = arith.constant 125 : i32
        %lt3A_93 = arith.cmpi slt, %scan3A_31, %lt3A : i32
        %convert_element_type3A_94 = arith.extui %lt3A_93 : i1 to i32
        %cond3A_95 = arith.constant 0 : i32
        %cond3A_96 = arith.cmpi ne, %convert_element_type3A_94, %cond3A_95 : i32
        scf.if %cond3A_96 {
          %add3A_97 = arith.constant 3 : i32
          %add3A_98 = arith.addi %scan3A_31, %add3A_97 : i32
          %mul3A_99 = arith.constant 200 : i32
          %mul3A_100 = arith.muli %add3A_98, %mul3A_99 : i32
          %dma_start3A_101 = tpu.memref_slice %arg5[%mul3A_100] : memref<25600xi32, #tpu.memory_space<vmem>> -> memref<200xi32, #tpu.memory_space<vmem>>
          %dma_start3A_102 = arith.constant 0 : i32
          %dma_start3A_103 = arith.constant 0 : i32
          %dma_start3A_104 = tpu.memref_slice %arg3[%dma_start3A_102, %dma_start3A_103] : memref<1000000x128xf32, #tpu.memory_space<hbm>> -> memref<1000000x128xf32, #tpu.memory_space<hbm>>
          tpu.enqueue_indirect_dma source(%dma_start3A_104 : memref<1000000x128xf32, #tpu.memory_space<hbm>>) target(%arg6 : memref<200x128xf32, #tpu.memory_space<vmem>>) offsets(%dma_start3A_101 : memref<200xi32, #tpu.memory_space<vmem>>) semaphore(%arg10 : memref<!tpu.dma_semaphore, #tpu.memory_space<semaphore_mem>>)
        } else {
        }
      } else {
      }
      %eq3A_36 = arith.constant 1 : i32
      %eq3A_37 = arith.cmpi eq, %rem3A_33, %eq3A_36 : i32
      %convert_element_type3A_38 = arith.extui %eq3A_37 : i1 to i32
      %cond3A_39 = arith.constant 0 : i32
      %cond3A_40 = arith.cmpi ne, %convert_element_type3A_38, %cond3A_39 : i32
      scf.if %cond3A_40 {
        %mul3A_47 = arith.constant 200 : i32
        %mul3A_48 = arith.muli %scan3A_31, %mul3A_47 : i32
        %dma_wait3A = tpu.memref_slice %arg5[%mul3A_48] : memref<25600xi32, #tpu.memory_space<vmem>> -> memref<200xi32, #tpu.memory_space<vmem>>
        %dma_wait3A_49 = arith.constant 0 : i32
        %dma_wait3A_50 = arith.constant 0 : i32
        %dma_wait3A_51 = tpu.memref_slice %arg3[%dma_wait3A_49, %dma_wait3A_50] : memref<1000000x128xf32, #tpu.memory_space<hbm>> -> memref<1000000x128xf32, #tpu.memory_space<hbm>>
        tpu.wait_indirect_dma semaphore(%arg11 : memref<!tpu.dma_semaphore, #tpu.memory_space<semaphore_mem>>) src(%dma_wait3A_51 : memref<1000000x128xf32, #tpu.memory_space<hbm>>) dst(%arg7 : memref<200x128xf32, #tpu.memory_space<vmem>>)
        %scan3A_52 = arith.constant 0 : i32
        %scan3A_53 = arith.constant 50 : i32
        %scan3A_54 = arith.addi %scan3A_52, %scan3A_53 : i32
        %scan3A_55 = arith.constant 1 : i32
        %scan3A_56:8 = scf.for %scan3A_97 = %scan3A_52 to %scan3A_54 step %scan3A_55 iter_args(%scan3A_98 = %broadcast_in_dim3A_1, %scan3A_99 = %broadcast_in_dim3A_1, %scan3A_100 = %broadcast_in_dim3A_1, %scan3A_101 = %broadcast_in_dim3A_1, %scan3A_102 = %broadcast_in_dim3A_1, %scan3A_103 = %broadcast_in_dim3A_1, %scan3A_104 = %broadcast_in_dim3A_1, %scan3A_105 = %broadcast_in_dim3A_1) -> (vector<16xf32>, vector<16xf32>, vector<16xf32>, vector<16xf32>, vector<16xf32>, vector<16xf32>, vector<16xf32>, vector<16xf32>)  : i32 {
          %mul3A_106 = arith.constant 4 : i32
          %mul3A_107 = arith.muli %scan3A_97, %mul3A_106 : i32
          %add3A_108 = arith.constant 0 : i32
          %add3A_109 = arith.addi %mul3A_107, %add3A_108 : i32
          %get3A = arith.index_cast %add3A_109 : i32 to index
          %get3A_110 = arith.constant 0 : index
          %get3A_111 = tpu.vector_load %arg7[%get3A, %get3A_110] {strides = array<i32>} : memref<200x128xf32, #tpu.memory_space<vmem>>, vector<1x16xf32>,
          %get3A_112 = vector.shape_cast %get3A_111 : vector<1x16xf32> to vector<16xf32>
          %add3A_113 = arith.addf %scan3A_98, %get3A_112 : vector<16xf32>
          %add3A_114 = arith.constant 0 : i32
          %add3A_115 = arith.addi %mul3A_107, %add3A_114 : i32
          %get3A_116 = arith.index_cast %add3A_115 : i32 to index
          %get3A_117 = arith.constant 16 : index
          %get3A_118 = tpu.vector_load %arg7[%get3A_116, %get3A_117] {strides = array<i32>} : memref<200x128xf32, #tpu.memory_space<vmem>>, vector<1x16xf32>,
          %get3A_119 = vector.shape_cast %get3A_118 : vector<1x16xf32> to vector<16xf32>
          %add3A_120 = arith.addf %scan3A_99, %get3A_119 : vector<16xf32>
          %add3A_121 = arith.constant 0 : i32
          %add3A_122 = arith.addi %mul3A_107, %add3A_121 : i32
          %get3A_123 = arith.index_cast %add3A_122 : i32 to index
          %get3A_124 = arith.constant 32 : index
          %get3A_125 = tpu.vector_load %arg7[%get3A_123, %get3A_124] {strides = array<i32>} : memref<200x128xf32, #tpu.memory_space<vmem>>, vector<1x16xf32>,
          %get3A_126 = vector.shape_cast %get3A_125 : vector<1x16xf32> to vector<16xf32>
          %add3A_127 = arith.addf %scan3A_100, %get3A_126 : vector<16xf32>
          %add3A_128 = arith.constant 0 : i32
          %add3A_129 = arith.addi %mul3A_107, %add3A_128 : i32
          %get3A_130 = arith.index_cast %add3A_129 : i32 to index
          %get3A_131 = arith.constant 48 : index
          %get3A_132 = tpu.vector_load %arg7[%get3A_130, %get3A_131] {strides = array<i32>} : memref<200x128xf32, #tpu.memory_space<vmem>>, vector<1x16xf32>,
          %get3A_133 = vector.shape_cast %get3A_132 : vector<1x16xf32> to vector<16xf32>
          %add3A_134 = arith.addf %scan3A_101, %get3A_133 : vector<16xf32>
          %add3A_135 = arith.constant 1 : i32
          %add3A_136 = arith.addi %mul3A_107, %add3A_135 : i32
          %get3A_137 = arith.index_cast %add3A_136 : i32 to index
          %get3A_138 = arith.constant 0 : index
          %get3A_139 = tpu.vector_load %arg7[%get3A_137, %get3A_138] {strides = array<i32>} : memref<200x128xf32, #tpu.memory_space<vmem>>, vector<1x16xf32>,
          %get3A_140 = vector.shape_cast %get3A_139 : vector<1x16xf32> to vector<16xf32>
          %add3A_141 = arith.addf %scan3A_102, %get3A_140 : vector<16xf32>
          %add3A_142 = arith.constant 1 : i32
          %add3A_143 = arith.addi %mul3A_107, %add3A_142 : i32
          %get3A_144 = arith.index_cast %add3A_143 : i32 to index
          %get3A_145 = arith.constant 16 : index
          %get3A_146 = tpu.vector_load %arg7[%get3A_144, %get3A_145] {strides = array<i32>} : memref<200x128xf32, #tpu.memory_space<vmem>>, vector<1x16xf32>,
          %get3A_147 = vector.shape_cast %get3A_146 : vector<1x16xf32> to vector<16xf32>
          %add3A_148 = arith.addf %scan3A_103, %get3A_147 : vector<16xf32>
          %add3A_149 = arith.constant 1 : i32
          %add3A_150 = arith.addi %mul3A_107, %add3A_149 : i32
          %get3A_151 = arith.index_cast %add3A_150 : i32 to index
          %get3A_152 = arith.constant 32 : index
          %get3A_153 = tpu.vector_load %arg7[%get3A_151, %get3A_152] {strides = array<i32>} : memref<200x128xf32, #tpu.memory_space<vmem>>, vector<1x16xf32>,
          %get3A_154 = vector.shape_cast %get3A_153 : vector<1x16xf32> to vector<16xf32>
          %add3A_155 = arith.addf %scan3A_104, %get3A_154 : vector<16xf32>
          %add3A_156 = arith.constant 1 : i32
          %add3A_157 = arith.addi %mul3A_107, %add3A_156 : i32
          %get3A_158 = arith.index_cast %add3A_157 : i32 to index
          %get3A_159 = arith.constant 48 : index
          %get3A_160 = tpu.vector_load %arg7[%get3A_158, %get3A_159] {strides = array<i32>} : memref<200x128xf32, #tpu.memory_space<vmem>>, vector<1x16xf32>,
          %get3A_161 = vector.shape_cast %get3A_160 : vector<1x16xf32> to vector<16xf32>
          %add3A_162 = arith.addf %scan3A_105, %get3A_161 : vector<16xf32>
          %add3A_163 = arith.constant 2 : i32
          %add3A_164 = arith.addi %mul3A_107, %add3A_163 : i32
          %get3A_165 = arith.index_cast %add3A_164 : i32 to index
          %get3A_166 = arith.constant 0 : index
          %get3A_167 = tpu.vector_load %arg7[%get3A_165, %get3A_166] {strides = array<i32>} : memref<200x128xf32, #tpu.memory_space<vmem>>, vector<1x16xf32>,
          %get3A_168 = vector.shape_cast %get3A_167 : vector<1x16xf32> to vector<16xf32>
          %add3A_169 = arith.addf %add3A_113, %get3A_168 : vector<16xf32>
          %add3A_170 = arith.constant 2 : i32
          %add3A_171 = arith.addi %mul3A_107, %add3A_170 : i32
          %get3A_172 = arith.index_cast %add3A_171 : i32 to index
          %get3A_173 = arith.constant 16 : index
          %get3A_174 = tpu.vector_load %arg7[%get3A_172, %get3A_173] {strides = array<i32>} : memref<200x128xf32, #tpu.memory_space<vmem>>, vector<1x16xf32>,
          %get3A_175 = vector.shape_cast %get3A_174 : vector<1x16xf32> to vector<16xf32>
          %add3A_176 = arith.addf %add3A_120, %get3A_175 : vector<16xf32>
          %add3A_177 = arith.constant 2 : i32
          %add3A_178 = arith.addi %mul3A_107, %add3A_177 : i32
          %get3A_179 = arith.index_cast %add3A_178 : i32 to index
          %get3A_180 = arith.constant 32 : index
          %get3A_181 = tpu.vector_load %arg7[%get3A_179, %get3A_180] {strides = array<i32>} : memref<200x128xf32, #tpu.memory_space<vmem>>, vector<1x16xf32>,
          %get3A_182 = vector.shape_cast %get3A_181 : vector<1x16xf32> to vector<16xf32>
          %add3A_183 = arith.addf %add3A_127, %get3A_182 : vector<16xf32>
          %add3A_184 = arith.constant 2 : i32
          %add3A_185 = arith.addi %mul3A_107, %add3A_184 : i32
          %get3A_186 = arith.index_cast %add3A_185 : i32 to index
          %get3A_187 = arith.constant 48 : index
          %get3A_188 = tpu.vector_load %arg7[%get3A_186, %get3A_187] {strides = array<i32>} : memref<200x128xf32, #tpu.memory_space<vmem>>, vector<1x16xf32>,
          %get3A_189 = vector.shape_cast %get3A_188 : vector<1x16xf32> to vector<16xf32>
          %add3A_190 = arith.addf %add3A_134, %get3A_189 : vector<16xf32>
          %add3A_191 = arith.constant 3 : i32
          %add3A_192 = arith.addi %mul3A_107, %add3A_191 : i32
          %get3A_193 = arith.index_cast %add3A_192 : i32 to index
          %get3A_194 = arith.constant 0 : index
          %get3A_195 = tpu.vector_load %arg7[%get3A_193, %get3A_194] {strides = array<i32>} : memref<200x128xf32, #tpu.memory_space<vmem>>, vector<1x16xf32>,
          %get3A_196 = vector.shape_cast %get3A_195 : vector<1x16xf32> to vector<16xf32>
          %add3A_197 = arith.addf %add3A_141, %get3A_196 : vector<16xf32>
          %add3A_198 = arith.constant 3 : i32
          %add3A_199 = arith.addi %mul3A_107, %add3A_198 : i32
          %get3A_200 = arith.index_cast %add3A_199 : i32 to index
          %get3A_201 = arith.constant 16 : index
          %get3A_202 = tpu.vector_load %arg7[%get3A_200, %get3A_201] {strides = array<i32>} : memref<200x128xf32, #tpu.memory_space<vmem>>, vector<1x16xf32>,
          %get3A_203 = vector.shape_cast %get3A_202 : vector<1x16xf32> to vector<16xf32>
          %add3A_204 = arith.addf %add3A_148, %get3A_203 : vector<16xf32>
          %add3A_205 = arith.constant 3 : i32
          %add3A_206 = arith.addi %mul3A_107, %add3A_205 : i32
          %get3A_207 = arith.index_cast %add3A_206 : i32 to index
          %get3A_208 = arith.constant 32 : index
          %get3A_209 = tpu.vector_load %arg7[%get3A_207, %get3A_208] {strides = array<i32>} : memref<200x128xf32, #tpu.memory_space<vmem>>, vector<1x16xf32>,
          %get3A_210 = vector.shape_cast %get3A_209 : vector<1x16xf32> to vector<16xf32>
          %add3A_211 = arith.addf %add3A_155, %get3A_210 : vector<16xf32>
          %add3A_212 = arith.constant 3 : i32
          %add3A_213 = arith.addi %mul3A_107, %add3A_212 : i32
          %get3A_214 = arith.index_cast %add3A_213 : i32 to index
          %get3A_215 = arith.constant 48 : index
          %get3A_216 = tpu.vector_load %arg7[%get3A_214, %get3A_215] {strides = array<i32>} : memref<200x128xf32, #tpu.memory_space<vmem>>, vector<1x16xf32>,
          %get3A_217 = vector.shape_cast %get3A_216 : vector<1x16xf32> to vector<16xf32>
          %add3A_218 = arith.addf %add3A_162, %get3A_217 : vector<16xf32>
          scf.yield %add3A_169, %add3A_176, %add3A_183, %add3A_190, %add3A_197, %add3A_204, %add3A_211, %add3A_218 : vector<16xf32>, vector<16xf32>, vector<16xf32>, vector<16xf32>, vector<16xf32>, vector<16xf32>, vector<16xf32>, vector<16xf32>
        }
        %scan3A_57 = arith.constant 50 : i32
        %add3A_58 = arith.addf %scan3A_56#0, %scan3A_56#4 : vector<16xf32>
        %mul3A_59 = arith.constant 5.000000e-03 : f32
        %mul3A_60 = vector.broadcast %mul3A_59 : f32 to vector<16xf32>
        %mul3A_61 = arith.mulf %add3A_58, %mul3A_60 : vector<16xf32>
        %swap3A = arith.index_cast %scan3A_31 : i32 to index
        %swap3A_62 = arith.constant 0 : index
        %swap3A_63 = tpu.vector_load %arg9[%swap3A, %swap3A_62] {strides = array<i32>} : memref<128x128xf32, #tpu.memory_space<vmem>>, vector<1x16xf32>,
        %swap3A_64 = vector.shape_cast %swap3A_63 : vector<1x16xf32> to vector<16xf32>
        %swap3A_65 = vector.shape_cast %mul3A_61 : vector<16xf32> to vector<1x16xf32>
        tpu.vector_store %arg9[%swap3A, %swap3A_62], %swap3A_65 {strides = array<i32>} : memref<128x128xf32, #tpu.memory_space<vmem>>, vector<1x16xf32>,
        %add3A_66 = arith.addf %scan3A_56#1, %scan3A_56#5 : vector<16xf32>
        %mul3A_67 = arith.constant 5.000000e-03 : f32
        %mul3A_68 = vector.broadcast %mul3A_67 : f32 to vector<16xf32>
        %mul3A_69 = arith.mulf %add3A_66, %mul3A_68 : vector<16xf32>
        %swap3A_70 = arith.index_cast %scan3A_31 : i32 to index
        %swap3A_71 = arith.constant 16 : index
        %swap3A_72 = tpu.vector_load %arg9[%swap3A_70, %swap3A_71] {strides = array<i32>} : memref<128x128xf32, #tpu.memory_space<vmem>>, vector<1x16xf32>,
        %swap3A_73 = vector.shape_cast %swap3A_72 : vector<1x16xf32> to vector<16xf32>
        %swap3A_74 = vector.shape_cast %mul3A_69 : vector<16xf32> to vector<1x16xf32>
        tpu.vector_store %arg9[%swap3A_70, %swap3A_71], %swap3A_74 {strides = array<i32>} : memref<128x128xf32, #tpu.memory_space<vmem>>, vector<1x16xf32>,
        %add3A_75 = arith.addf %scan3A_56#2, %scan3A_56#6 : vector<16xf32>
        %mul3A_76 = arith.constant 5.000000e-03 : f32
        %mul3A_77 = vector.broadcast %mul3A_76 : f32 to vector<16xf32>
        %mul3A_78 = arith.mulf %add3A_75, %mul3A_77 : vector<16xf32>
        %swap3A_79 = arith.index_cast %scan3A_31 : i32 to index
        %swap3A_80 = arith.constant 32 : index
        %swap3A_81 = tpu.vector_load %arg9[%swap3A_79, %swap3A_80] {strides = array<i32>} : memref<128x128xf32, #tpu.memory_space<vmem>>, vector<1x16xf32>,
        %swap3A_82 = vector.shape_cast %swap3A_81 : vector<1x16xf32> to vector<16xf32>
        %swap3A_83 = vector.shape_cast %mul3A_78 : vector<16xf32> to vector<1x16xf32>
        tpu.vector_store %arg9[%swap3A_79, %swap3A_80], %swap3A_83 {strides = array<i32>} : memref<128x128xf32, #tpu.memory_space<vmem>>, vector<1x16xf32>,
        %add3A_84 = arith.addf %scan3A_56#3, %scan3A_56#7 : vector<16xf32>
        %mul3A_85 = arith.constant 5.000000e-03 : f32
        %mul3A_86 = vector.broadcast %mul3A_85 : f32 to vector<16xf32>
        %mul3A_87 = arith.mulf %add3A_84, %mul3A_86 : vector<16xf32>
        %swap3A_88 = arith.index_cast %scan3A_31 : i32 to index
        %swap3A_89 = arith.constant 48 : index
        %swap3A_90 = tpu.vector_load %arg9[%swap3A_88, %swap3A_89] {strides = array<i32>} : memref<128x128xf32, #tpu.memory_space<vmem>>, vector<1x16xf32>,
        %swap3A_91 = vector.shape_cast %swap3A_90 : vector<1x16xf32> to vector<16xf32>
        %swap3A_92 = vector.shape_cast %mul3A_87 : vector<16xf32> to vector<1x16xf32>
        tpu.vector_store %arg9[%swap3A_88, %swap3A_89], %swap3A_92 {strides = array<i32>} : memref<128x128xf32, #tpu.memory_space<vmem>>, vector<1x16xf32>,
        %lt3A = arith.constant 125 : i32
        %lt3A_93 = arith.cmpi slt, %scan3A_31, %lt3A : i32
        %convert_element_type3A_94 = arith.extui %lt3A_93 : i1 to i32
        %cond3A_95 = arith.constant 0 : i32
        %cond3A_96 = arith.cmpi ne, %convert_element_type3A_94, %cond3A_95 : i32
        scf.if %cond3A_96 {
          %add3A_97 = arith.constant 3 : i32
          %add3A_98 = arith.addi %scan3A_31, %add3A_97 : i32
          %mul3A_99 = arith.constant 200 : i32
          %mul3A_100 = arith.muli %add3A_98, %mul3A_99 : i32
          %dma_start3A_101 = tpu.memref_slice %arg5[%mul3A_100] : memref<25600xi32, #tpu.memory_space<vmem>> -> memref<200xi32, #tpu.memory_space<vmem>>
          %dma_start3A_102 = arith.constant 0 : i32
          %dma_start3A_103 = arith.constant 0 : i32
          %dma_start3A_104 = tpu.memref_slice %arg3[%dma_start3A_102, %dma_start3A_103] : memref<1000000x128xf32, #tpu.memory_space<hbm>> -> memref<1000000x128xf32, #tpu.memory_space<hbm>>
          tpu.enqueue_indirect_dma source(%dma_start3A_104 : memref<1000000x128xf32, #tpu.memory_space<hbm>>) target(%arg7 : memref<200x128xf32, #tpu.memory_space<vmem>>) offsets(%dma_start3A_101 : memref<200xi32, #tpu.memory_space<vmem>>) semaphore(%arg11 : memref<!tpu.dma_semaphore, #tpu.memory_space<semaphore_mem>>)
        } else {
        }
      } else {
      }
      %eq3A_41 = arith.constant 2 : i32
      %eq3A_42 = arith.cmpi eq, %rem3A_33, %eq3A_41 : i32
      %convert_element_type3A_43 = arith.extui %eq3A_42 : i1 to i32
      %cond3A_44 = arith.constant 0 : i32
      %cond3A_45 = arith.cmpi ne, %convert_element_type3A_43, %cond3A_44 : i32
      scf.if %cond3A_45 {
        %mul3A_47 = arith.constant 200 : i32
        %mul3A_48 = arith.muli %scan3A_31, %mul3A_47 : i32
        %dma_wait3A = tpu.memref_slice %arg5[%mul3A_48] : memref<25600xi32, #tpu.memory_space<vmem>> -> memref<200xi32, #tpu.memory_space<vmem>>
        %dma_wait3A_49 = arith.constant 0 : i32
        %dma_wait3A_50 = arith.constant 0 : i32
        %dma_wait3A_51 = tpu.memref_slice %arg3[%dma_wait3A_49, %dma_wait3A_50] : memref<1000000x128xf32, #tpu.memory_space<hbm>> -> memref<1000000x128xf32, #tpu.memory_space<hbm>>
        tpu.wait_indirect_dma semaphore(%arg12 : memref<!tpu.dma_semaphore, #tpu.memory_space<semaphore_mem>>) src(%dma_wait3A_51 : memref<1000000x128xf32, #tpu.memory_space<hbm>>) dst(%arg8 : memref<200x128xf32, #tpu.memory_space<vmem>>)
        %scan3A_52 = arith.constant 0 : i32
        %scan3A_53 = arith.constant 50 : i32
        %scan3A_54 = arith.addi %scan3A_52, %scan3A_53 : i32
        %scan3A_55 = arith.constant 1 : i32
        %scan3A_56:8 = scf.for %scan3A_97 = %scan3A_52 to %scan3A_54 step %scan3A_55 iter_args(%scan3A_98 = %broadcast_in_dim3A_1, %scan3A_99 = %broadcast_in_dim3A_1, %scan3A_100 = %broadcast_in_dim3A_1, %scan3A_101 = %broadcast_in_dim3A_1, %scan3A_102 = %broadcast_in_dim3A_1, %scan3A_103 = %broadcast_in_dim3A_1, %scan3A_104 = %broadcast_in_dim3A_1, %scan3A_105 = %broadcast_in_dim3A_1) -> (vector<16xf32>, vector<16xf32>, vector<16xf32>, vector<16xf32>, vector<16xf32>, vector<16xf32>, vector<16xf32>, vector<16xf32>)  : i32 {
          %mul3A_106 = arith.constant 4 : i32
          %mul3A_107 = arith.muli %scan3A_97, %mul3A_106 : i32
          %add3A_108 = arith.constant 0 : i32
          %add3A_109 = arith.addi %mul3A_107, %add3A_108 : i32
          %get3A = arith.index_cast %add3A_109 : i32 to index
          %get3A_110 = arith.constant 0 : index
          %get3A_111 = tpu.vector_load %arg8[%get3A, %get3A_110] {strides = array<i32>} : memref<200x128xf32, #tpu.memory_space<vmem>>, vector<1x16xf32>,
          %get3A_112 = vector.shape_cast %get3A_111 : vector<1x16xf32> to vector<16xf32>
          %add3A_113 = arith.addf %scan3A_98, %get3A_112 : vector<16xf32>
          %add3A_114 = arith.constant 0 : i32
          %add3A_115 = arith.addi %mul3A_107, %add3A_114 : i32
          %get3A_116 = arith.index_cast %add3A_115 : i32 to index
          %get3A_117 = arith.constant 16 : index
          %get3A_118 = tpu.vector_load %arg8[%get3A_116, %get3A_117] {strides = array<i32>} : memref<200x128xf32, #tpu.memory_space<vmem>>, vector<1x16xf32>,
          %get3A_119 = vector.shape_cast %get3A_118 : vector<1x16xf32> to vector<16xf32>
          %add3A_120 = arith.addf %scan3A_99, %get3A_119 : vector<16xf32>
          %add3A_121 = arith.constant 0 : i32
          %add3A_122 = arith.addi %mul3A_107, %add3A_121 : i32
          %get3A_123 = arith.index_cast %add3A_122 : i32 to index
          %get3A_124 = arith.constant 32 : index
          %get3A_125 = tpu.vector_load %arg8[%get3A_123, %get3A_124] {strides = array<i32>} : memref<200x128xf32, #tpu.memory_space<vmem>>, vector<1x16xf32>,
          %get3A_126 = vector.shape_cast %get3A_125 : vector<1x16xf32> to vector<16xf32>
          %add3A_127 = arith.addf %scan3A_100, %get3A_126 : vector<16xf32>
          %add3A_128 = arith.constant 0 : i32
          %add3A_129 = arith.addi %mul3A_107, %add3A_128 : i32
          %get3A_130 = arith.index_cast %add3A_129 : i32 to index
          %get3A_131 = arith.constant 48 : index
          %get3A_132 = tpu.vector_load %arg8[%get3A_130, %get3A_131] {strides = array<i32>} : memref<200x128xf32, #tpu.memory_space<vmem>>, vector<1x16xf32>,
          %get3A_133 = vector.shape_cast %get3A_132 : vector<1x16xf32> to vector<16xf32>
          %add3A_134 = arith.addf %scan3A_101, %get3A_133 : vector<16xf32>
          %add3A_135 = arith.constant 1 : i32
          %add3A_136 = arith.addi %mul3A_107, %add3A_135 : i32
          %get3A_137 = arith.index_cast %add3A_136 : i32 to index
          %get3A_138 = arith.constant 0 : index
          %get3A_139 = tpu.vector_load %arg8[%get3A_137, %get3A_138] {strides = array<i32>} : memref<200x128xf32, #tpu.memory_space<vmem>>, vector<1x16xf32>,
          %get3A_140 = vector.shape_cast %get3A_139 : vector<1x16xf32> to vector<16xf32>
          %add3A_141 = arith.addf %scan3A_102, %get3A_140 : vector<16xf32>
          %add3A_142 = arith.constant 1 : i32
          %add3A_143 = arith.addi %mul3A_107, %add3A_142 : i32
          %get3A_144 = arith.index_cast %add3A_143 : i32 to index
          %get3A_145 = arith.constant 16 : index
          %get3A_146 = tpu.vector_load %arg8[%get3A_144, %get3A_145] {strides = array<i32>} : memref<200x128xf32, #tpu.memory_space<vmem>>, vector<1x16xf32>,
          %get3A_147 = vector.shape_cast %get3A_146 : vector<1x16xf32> to vector<16xf32>
          %add3A_148 = arith.addf %scan3A_103, %get3A_147 : vector<16xf32>
          %add3A_149 = arith.constant 1 : i32
          %add3A_150 = arith.addi %mul3A_107, %add3A_149 : i32
          %get3A_151 = arith.index_cast %add3A_150 : i32 to index
          %get3A_152 = arith.constant 32 : index
          %get3A_153 = tpu.vector_load %arg8[%get3A_151, %get3A_152] {strides = array<i32>} : memref<200x128xf32, #tpu.memory_space<vmem>>, vector<1x16xf32>,
          %get3A_154 = vector.shape_cast %get3A_153 : vector<1x16xf32> to vector<16xf32>
          %add3A_155 = arith.addf %scan3A_104, %get3A_154 : vector<16xf32>
          %add3A_156 = arith.constant 1 : i32
          %add3A_157 = arith.addi %mul3A_107, %add3A_156 : i32
          %get3A_158 = arith.index_cast %add3A_157 : i32 to index
          %get3A_159 = arith.constant 48 : index
          %get3A_160 = tpu.vector_load %arg8[%get3A_158, %get3A_159] {strides = array<i32>} : memref<200x128xf32, #tpu.memory_space<vmem>>, vector<1x16xf32>,
          %get3A_161 = vector.shape_cast %get3A_160 : vector<1x16xf32> to vector<16xf32>
          %add3A_162 = arith.addf %scan3A_105, %get3A_161 : vector<16xf32>
          %add3A_163 = arith.constant 2 : i32
          %add3A_164 = arith.addi %mul3A_107, %add3A_163 : i32
          %get3A_165 = arith.index_cast %add3A_164 : i32 to index
          %get3A_166 = arith.constant 0 : index
          %get3A_167 = tpu.vector_load %arg8[%get3A_165, %get3A_166] {strides = array<i32>} : memref<200x128xf32, #tpu.memory_space<vmem>>, vector<1x16xf32>,
          %get3A_168 = vector.shape_cast %get3A_167 : vector<1x16xf32> to vector<16xf32>
          %add3A_169 = arith.addf %add3A_113, %get3A_168 : vector<16xf32>
          %add3A_170 = arith.constant 2 : i32
          %add3A_171 = arith.addi %mul3A_107, %add3A_170 : i32
          %get3A_172 = arith.index_cast %add3A_171 : i32 to index
          %get3A_173 = arith.constant 16 : index
          %get3A_174 = tpu.vector_load %arg8[%get3A_172, %get3A_173] {strides = array<i32>} : memref<200x128xf32, #tpu.memory_space<vmem>>, vector<1x16xf32>,
          %get3A_175 = vector.shape_cast %get3A_174 : vector<1x16xf32> to vector<16xf32>
          %add3A_176 = arith.addf %add3A_120, %get3A_175 : vector<16xf32>
          %add3A_177 = arith.constant 2 : i32
          %add3A_178 = arith.addi %mul3A_107, %add3A_177 : i32
          %get3A_179 = arith.index_cast %add3A_178 : i32 to index
          %get3A_180 = arith.constant 32 : index
          %get3A_181 = tpu.vector_load %arg8[%get3A_179, %get3A_180] {strides = array<i32>} : memref<200x128xf32, #tpu.memory_space<vmem>>, vector<1x16xf32>,
          %get3A_182 = vector.shape_cast %get3A_181 : vector<1x16xf32> to vector<16xf32>
          %add3A_183 = arith.addf %add3A_127, %get3A_182 : vector<16xf32>
          %add3A_184 = arith.constant 2 : i32
          %add3A_185 = arith.addi %mul3A_107, %add3A_184 : i32
          %get3A_186 = arith.index_cast %add3A_185 : i32 to index
          %get3A_187 = arith.constant 48 : index
          %get3A_188 = tpu.vector_load %arg8[%get3A_186, %get3A_187] {strides = array<i32>} : memref<200x128xf32, #tpu.memory_space<vmem>>, vector<1x16xf32>,
          %get3A_189 = vector.shape_cast %get3A_188 : vector<1x16xf32> to vector<16xf32>
          %add3A_190 = arith.addf %add3A_134, %get3A_189 : vector<16xf32>
          %add3A_191 = arith.constant 3 : i32
          %add3A_192 = arith.addi %mul3A_107, %add3A_191 : i32
          %get3A_193 = arith.index_cast %add3A_192 : i32 to index
          %get3A_194 = arith.constant 0 : index
          %get3A_195 = tpu.vector_load %arg8[%get3A_193, %get3A_194] {strides = array<i32>} : memref<200x128xf32, #tpu.memory_space<vmem>>, vector<1x16xf32>,
          %get3A_196 = vector.shape_cast %get3A_195 : vector<1x16xf32> to vector<16xf32>
          %add3A_197 = arith.addf %add3A_141, %get3A_196 : vector<16xf32>
          %add3A_198 = arith.constant 3 : i32
          %add3A_199 = arith.addi %mul3A_107, %add3A_198 : i32
          %get3A_200 = arith.index_cast %add3A_199 : i32 to index
          %get3A_201 = arith.constant 16 : index
          %get3A_202 = tpu.vector_load %arg8[%get3A_200, %get3A_201] {strides = array<i32>} : memref<200x128xf32, #tpu.memory_space<vmem>>, vector<1x16xf32>,
          %get3A_203 = vector.shape_cast %get3A_202 : vector<1x16xf32> to vector<16xf32>
          %add3A_204 = arith.addf %add3A_148, %get3A_203 : vector<16xf32>
          %add3A_205 = arith.constant 3 : i32
          %add3A_206 = arith.addi %mul3A_107, %add3A_205 : i32
          %get3A_207 = arith.index_cast %add3A_206 : i32 to index
          %get3A_208 = arith.constant 32 : index
          %get3A_209 = tpu.vector_load %arg8[%get3A_207, %get3A_208] {strides = array<i32>} : memref<200x128xf32, #tpu.memory_space<vmem>>, vector<1x16xf32>,
          %get3A_210 = vector.shape_cast %get3A_209 : vector<1x16xf32> to vector<16xf32>
          %add3A_211 = arith.addf %add3A_155, %get3A_210 : vector<16xf32>
          %add3A_212 = arith.constant 3 : i32
          %add3A_213 = arith.addi %mul3A_107, %add3A_212 : i32
          %get3A_214 = arith.index_cast %add3A_213 : i32 to index
          %get3A_215 = arith.constant 48 : index
          %get3A_216 = tpu.vector_load %arg8[%get3A_214, %get3A_215] {strides = array<i32>} : memref<200x128xf32, #tpu.memory_space<vmem>>, vector<1x16xf32>,
          %get3A_217 = vector.shape_cast %get3A_216 : vector<1x16xf32> to vector<16xf32>
          %add3A_218 = arith.addf %add3A_162, %get3A_217 : vector<16xf32>
          scf.yield %add3A_169, %add3A_176, %add3A_183, %add3A_190, %add3A_197, %add3A_204, %add3A_211, %add3A_218 : vector<16xf32>, vector<16xf32>, vector<16xf32>, vector<16xf32>, vector<16xf32>, vector<16xf32>, vector<16xf32>, vector<16xf32>
        }
        %scan3A_57 = arith.constant 50 : i32
        %add3A_58 = arith.addf %scan3A_56#0, %scan3A_56#4 : vector<16xf32>
        %mul3A_59 = arith.constant 5.000000e-03 : f32
        %mul3A_60 = vector.broadcast %mul3A_59 : f32 to vector<16xf32>
        %mul3A_61 = arith.mulf %add3A_58, %mul3A_60 : vector<16xf32>
        %swap3A = arith.index_cast %scan3A_31 : i32 to index
        %swap3A_62 = arith.constant 0 : index
        %swap3A_63 = tpu.vector_load %arg9[%swap3A, %swap3A_62] {strides = array<i32>} : memref<128x128xf32, #tpu.memory_space<vmem>>, vector<1x16xf32>,
        %swap3A_64 = vector.shape_cast %swap3A_63 : vector<1x16xf32> to vector<16xf32>
        %swap3A_65 = vector.shape_cast %mul3A_61 : vector<16xf32> to vector<1x16xf32>
        tpu.vector_store %arg9[%swap3A, %swap3A_62], %swap3A_65 {strides = array<i32>} : memref<128x128xf32, #tpu.memory_space<vmem>>, vector<1x16xf32>,
        %add3A_66 = arith.addf %scan3A_56#1, %scan3A_56#5 : vector<16xf32>
        %mul3A_67 = arith.constant 5.000000e-03 : f32
        %mul3A_68 = vector.broadcast %mul3A_67 : f32 to vector<16xf32>
        %mul3A_69 = arith.mulf %add3A_66, %mul3A_68 : vector<16xf32>
        %swap3A_70 = arith.index_cast %scan3A_31 : i32 to index
        %swap3A_71 = arith.constant 16 : index
        %swap3A_72 = tpu.vector_load %arg9[%swap3A_70, %swap3A_71] {strides = array<i32>} : memref<128x128xf32, #tpu.memory_space<vmem>>, vector<1x16xf32>,
        %swap3A_73 = vector.shape_cast %swap3A_72 : vector<1x16xf32> to vector<16xf32>
        %swap3A_74 = vector.shape_cast %mul3A_69 : vector<16xf32> to vector<1x16xf32>
        tpu.vector_store %arg9[%swap3A_70, %swap3A_71], %swap3A_74 {strides = array<i32>} : memref<128x128xf32, #tpu.memory_space<vmem>>, vector<1x16xf32>,
        %add3A_75 = arith.addf %scan3A_56#2, %scan3A_56#6 : vector<16xf32>
        %mul3A_76 = arith.constant 5.000000e-03 : f32
        %mul3A_77 = vector.broadcast %mul3A_76 : f32 to vector<16xf32>
        %mul3A_78 = arith.mulf %add3A_75, %mul3A_77 : vector<16xf32>
        %swap3A_79 = arith.index_cast %scan3A_31 : i32 to index
        %swap3A_80 = arith.constant 32 : index
        %swap3A_81 = tpu.vector_load %arg9[%swap3A_79, %swap3A_80] {strides = array<i32>} : memref<128x128xf32, #tpu.memory_space<vmem>>, vector<1x16xf32>,
        %swap3A_82 = vector.shape_cast %swap3A_81 : vector<1x16xf32> to vector<16xf32>
        %swap3A_83 = vector.shape_cast %mul3A_78 : vector<16xf32> to vector<1x16xf32>
        tpu.vector_store %arg9[%swap3A_79, %swap3A_80], %swap3A_83 {strides = array<i32>} : memref<128x128xf32, #tpu.memory_space<vmem>>, vector<1x16xf32>,
        %add3A_84 = arith.addf %scan3A_56#3, %scan3A_56#7 : vector<16xf32>
        %mul3A_85 = arith.constant 5.000000e-03 : f32
        %mul3A_86 = vector.broadcast %mul3A_85 : f32 to vector<16xf32>
        %mul3A_87 = arith.mulf %add3A_84, %mul3A_86 : vector<16xf32>
        %swap3A_88 = arith.index_cast %scan3A_31 : i32 to index
        %swap3A_89 = arith.constant 48 : index
        %swap3A_90 = tpu.vector_load %arg9[%swap3A_88, %swap3A_89] {strides = array<i32>} : memref<128x128xf32, #tpu.memory_space<vmem>>, vector<1x16xf32>,
        %swap3A_91 = vector.shape_cast %swap3A_90 : vector<1x16xf32> to vector<16xf32>
        %swap3A_92 = vector.shape_cast %mul3A_87 : vector<16xf32> to vector<1x16xf32>
        tpu.vector_store %arg9[%swap3A_88, %swap3A_89], %swap3A_92 {strides = array<i32>} : memref<128x128xf32, #tpu.memory_space<vmem>>, vector<1x16xf32>,
        %lt3A = arith.constant 125 : i32
        %lt3A_93 = arith.cmpi slt, %scan3A_31, %lt3A : i32
        %convert_element_type3A_94 = arith.extui %lt3A_93 : i1 to i32
        %cond3A_95 = arith.constant 0 : i32
        %cond3A_96 = arith.cmpi ne, %convert_element_type3A_94, %cond3A_95 : i32
        scf.if %cond3A_96 {
          %add3A_97 = arith.constant 3 : i32
          %add3A_98 = arith.addi %scan3A_31, %add3A_97 : i32
          %mul3A_99 = arith.constant 200 : i32
          %mul3A_100 = arith.muli %add3A_98, %mul3A_99 : i32
          %dma_start3A_101 = tpu.memref_slice %arg5[%mul3A_100] : memref<25600xi32, #tpu.memory_space<vmem>> -> memref<200xi32, #tpu.memory_space<vmem>>
          %dma_start3A_102 = arith.constant 0 : i32
          %dma_start3A_103 = arith.constant 0 : i32
          %dma_start3A_104 = tpu.memref_slice %arg3[%dma_start3A_102, %dma_start3A_103] : memref<1000000x128xf32, #tpu.memory_space<hbm>> -> memref<1000000x128xf32, #tpu.memory_space<hbm>>
          tpu.enqueue_indirect_dma source(%dma_start3A_104 : memref<1000000x128xf32, #tpu.memory_space<hbm>>) target(%arg8 : memref<200x128xf32, #tpu.memory_space<vmem>>) offsets(%dma_start3A_101 : memref<200xi32, #tpu.memory_space<vmem>>) semaphore(%arg12 : memref<!tpu.dma_semaphore, #tpu.memory_space<semaphore_mem>>)
        } else {
        }
      } else {
      }
      %scan3A_46 = arith.constant 0 : i32
      scf.yield %scan3A_46 : i32
    }
    %scan3A_28 = arith.constant 128 : i32
    %mul3A_29 = arith.constant 128 : i32
    %mul3A_30 = arith.muli %add3A, %mul3A_29 : i32
    "tpu.region"() ({
      %run_scoped3A = tpu.sem_alloc : memref<!tpu.dma_semaphore, #tpu.memory_space<semaphore_mem>>
      %dma_start3A_31 = arith.constant 0 : i32
      %dma_start3A_32 = tpu.memref_slice %arg4[%mul3A_30, %dma_start3A_31] : memref<4096x128xf32, #tpu.memory_space<hbm>> -> memref<128x128xf32, #tpu.memory_space<hbm>>
      %dma_start3A_33 = arith.constant 0 : i32
      %dma_start3A_34 = tpu.memref_slice %arg4[%mul3A_30, %dma_start3A_33] : memref<4096x128xf32, #tpu.memory_space<hbm>> -> memref<128x128xf32, #tpu.memory_space<hbm>>
      tpu.enqueue_dma source(%arg9 : memref<128x128xf32, #tpu.memory_space<vmem>>) target(%dma_start3A_34 : memref<128x128xf32, #tpu.memory_space<hbm>>) target_semaphore(%run_scoped3A : memref<!tpu.dma_semaphore, #tpu.memory_space<semaphore_mem>>)
      %dma_wait3A = arith.constant 0 : i32
      %dma_wait3A_35 = tpu.memref_slice %arg4[%mul3A_30, %dma_wait3A] : memref<4096x128xf32, #tpu.memory_space<hbm>> -> memref<128x128xf32, #tpu.memory_space<hbm>>
      %dma_wait3A_36 = arith.constant 0 : i32
      %dma_wait3A_37 = tpu.memref_slice %arg4[%mul3A_30, %dma_wait3A_36] : memref<4096x128xf32, #tpu.memory_space<hbm>> -> memref<128x128xf32, #tpu.memory_space<hbm>>
      tpu.wait_dma2 semaphore(%run_scoped3A : memref<!tpu.dma_semaphore, #tpu.memory_space<semaphore_mem>>) src(%arg9 : memref<128x128xf32, #tpu.memory_space<vmem>>) dst(%dma_wait3A_37 : memref<128x128xf32, #tpu.memory_space<hbm>>)
      tpu.yield
    }) : () -> ()
    return
  }
}

module attributes {stable_mosaic.version = 14 : i64} {
  func.func @_transpose_body(%arg0: i32, %arg1: memref<64x128xbf16, #tpu.memory_space<vmem>>, %arg2: memref<64x6400xf32, #tpu.memory_space<vmem>>, %arg3: memref<6400x128xf32, #tpu.memory_space<vmem>>) attributes {dimension_semantics = [#tpu.dimension_semantics<arbitrary>], iteration_bounds = array<i64: 157>, scalar_prefetch = 0 : i64, scratch_operands = 0 : i64, tpu.core_type = #tpu.core_type<tc>, window_params = [{pipeline_mode = #tpu.pipeline_mode<synchronous>, transform_indices = @transform_0, window_bounds = array<i64: 64, 128>}, {transform_indices = @transform_1, window_bounds = array<i64: 64, 6400>}, {transform_indices = @transform_2, window_bounds = array<i64: 6400, 128>}]} {
    %get3A = arith.constant 0 : index
    %get3A_0 = arith.constant 0 : index
    %get3A_1 = vector.load %arg2[%get3A, %get3A_0] : memref<64x6400xf32, #tpu.memory_space<vmem>>, vector<64x6400xf32>
    %convert_element_type3A = arith.truncf %get3A_1 : vector<64x6400xf32> to vector<64x6400xbf16>
    %convert_element_type3A_2 = arith.extf %convert_element_type3A : vector<64x6400xbf16> to vector<64x6400xf32>
    %sub3A = arith.subf %get3A_1, %convert_element_type3A_2 : vector<64x6400xf32>
    %convert_element_type3A_3 = arith.truncf %sub3A : vector<64x6400xf32> to vector<64x6400xbf16>
    %convert_element_type3A_4 = arith.extf %convert_element_type3A_3 : vector<64x6400xbf16> to vector<64x6400xf32>
    %sub3A_5 = arith.subf %sub3A, %convert_element_type3A_4 : vector<64x6400xf32>
    %convert_element_type3A_6 = arith.truncf %sub3A_5 : vector<64x6400xf32> to vector<64x6400xbf16>
    %get3A_7 = arith.constant 0 : index
    %get3A_8 = arith.constant 0 : index
    %get3A_9 = vector.load %arg1[%get3A_7, %get3A_8] : memref<64x128xbf16, #tpu.memory_space<vmem>>, vector<64x128xbf16>
    %dot_general3A = arith.constant dense<0.000000e+00> : vector<6400x128xf32>
    %dot_general3A_10 = tpu.matmul %convert_element_type3A, %get3A_9, %dot_general3A {dimension_numbers = #tpu.dot_dimension_numbers<[0], [0], [1], [1], [0, 1, 1, 1], [], []>, transpose_lhs_hint = true} : vector<64x6400xbf16>, vector<64x128xbf16>, vector<6400x128xf32> -> vector<6400x128xf32>
    %dot_general3A_11 = arith.constant dense<0.000000e+00> : vector<6400x128xf32>
    %dot_general3A_12 = tpu.matmul %convert_element_type3A_3, %get3A_9, %dot_general3A_11 {dimension_numbers = #tpu.dot_dimension_numbers<[0], [0], [1], [1], [0, 1, 1, 1], [], []>, transpose_lhs_hint = true} : vector<64x6400xbf16>, vector<64x128xbf16>, vector<6400x128xf32> -> vector<6400x128xf32>
    %add3A = arith.addf %dot_general3A_10, %dot_general3A_12 : vector<6400x128xf32>
    %dot_general3A_13 = arith.constant dense<0.000000e+00> : vector<6400x128xf32>
    %dot_general3A_14 = tpu.matmul %convert_element_type3A_6, %get3A_9, %dot_general3A_13 {dimension_numbers = #tpu.dot_dimension_numbers<[0], [0], [1], [1], [0, 1, 1, 1], [], []>, transpose_lhs_hint = true} : vector<64x6400xbf16>, vector<64x128xbf16>, vector<6400x128xf32> -> vector<6400x128xf32>
    %add3A_15 = arith.addf %add3A, %dot_general3A_14 : vector<6400x128xf32>
    %swap3A = arith.constant 0 : index
    %swap3A_16 = arith.constant 0 : index
    %swap3A_17 = vector.load %arg3[%swap3A, %swap3A_16] : memref<6400x128xf32, #tpu.memory_space<vmem>>, vector<6400x128xf32>
    tpu.vector_store %arg3[%swap3A, %swap3A_16], %add3A_15 {strides = array<i32>} : memref<6400x128xf32, #tpu.memory_space<vmem>>, vector<6400x128xf32>,
    return
  }
  func.func @transform_0(%arg0: i32) -> (i32, i32) {
    %c0_i32 = arith.constant 0 : i32
    %c0_i32_0 = arith.constant 0 : i32
    %c0_i32_1 = arith.constant 0 : i32
    return %c0_i32, %c0_i32_0 : i32, i32
  }
  func.func @transform_1(%arg0: i32) -> (i32, i32) {
    %c0_i32 = arith.constant 0 : i32
    %c0_i32_0 = arith.constant 0 : i32
    return %c0_i32, %arg0 : i32, i32
  }
  func.func @transform_2(%arg0: i32) -> (i32, i32) {
    %c0_i32 = arith.constant 0 : i32
    %c0_i32_0 = arith.constant 0 : i32
    return %arg0, %c0_i32 : i32, i32
  }
}

module attributes {stable_mosaic.version = 14 : i64} {
  func.func @_fc_body(%arg0: i32, %arg1: memref<512x128xf32, #tpu.memory_space<vmem>>, %arg2: memref<128x256xf32, #tpu.memory_space<vmem>>, %arg3: memref<1x256xf32, #tpu.memory_space<vmem>>, %arg4: memref<1x256xf32, #tpu.memory_space<vmem>>, %arg5: memref<1x256xf32, #tpu.memory_space<vmem>>, %arg6: memref<1x256xf32, #tpu.memory_space<vmem>>, %arg7: memref<1x256xf32, #tpu.memory_space<vmem>>, %arg8: memref<256x128xf32, #tpu.memory_space<vmem>>, %arg9: memref<1x128xf32, #tpu.memory_space<vmem>>, %arg10: memref<512x128xf32, #tpu.memory_space<vmem>>) attributes {dimension_semantics = [#tpu.dimension_semantics<arbitrary>], iteration_bounds = array<i64: 8>, scalar_prefetch = 0 : i64, scratch_operands = 0 : i64, tpu.core_type = #tpu.core_type<tc>, window_params = [{transform_indices = @transform_0, window_bounds = array<i64: 512, 128>}, {pipeline_mode = #tpu.pipeline_mode<synchronous>, transform_indices = @transform_1, window_bounds = array<i64: 128, 256>}, {pipeline_mode = #tpu.pipeline_mode<synchronous>, transform_indices = @transform_2, window_bounds = array<i64: 1, 256>}, {pipeline_mode = #tpu.pipeline_mode<synchronous>, transform_indices = @transform_3, window_bounds = array<i64: 1, 256>}, {pipeline_mode = #tpu.pipeline_mode<synchronous>, transform_indices = @transform_4, window_bounds = array<i64: 1, 256>}, {pipeline_mode = #tpu.pipeline_mode<synchronous>, transform_indices = @transform_5, window_bounds = array<i64: 1, 256>}, {pipeline_mode = #tpu.pipeline_mode<synchronous>, transform_indices = @transform_6, window_bounds = array<i64: 1, 256>}, {pipeline_mode = #tpu.pipeline_mode<synchronous>, transform_indices = @transform_7, window_bounds = array<i64: 256, 128>}, {pipeline_mode = #tpu.pipeline_mode<synchronous>, transform_indices = @transform_8, window_bounds = array<i64: 1, 128>}, {transform_indices = @transform_9, window_bounds = array<i64: 512, 128>}]} {
    %get3A = arith.constant 0 : index
    %get3A_0 = arith.constant 0 : index
    %get3A_1 = vector.load %arg1[%get3A, %get3A_0] : memref<512x128xf32, #tpu.memory_space<vmem>>, vector<512x128xf32>
    %get3A_2 = arith.constant 0 : index
    %get3A_3 = arith.constant 0 : index
    %get3A_4 = vector.load %arg2[%get3A_2, %get3A_3] : memref<128x256xf32, #tpu.memory_space<vmem>>, vector<128x256xf32>
    %dot_general3A = arith.constant dense<0.000000e+00> : vector<512x256xf32>
    %dot_general3A_5 = tpu.matmul %get3A_1, %get3A_4, %dot_general3A {dimension_numbers = #tpu.dot_dimension_numbers<[1], [0], [0], [1], [0, 0, 1, 1], [], []>, transpose_lhs_hint = false} : vector<512x128xf32>, vector<128x256xf32>, vector<512x256xf32> -> vector<512x256xf32>
    %get3A_6 = arith.constant 0 : index
    %get3A_7 = arith.constant 0 : index
    %get3A_8 = vector.load %arg3[%get3A_6, %get3A_7] : memref<1x256xf32, #tpu.memory_space<vmem>>, vector<1x256xf32>
    %add3A = vector.broadcast %get3A_8 : vector<1x256xf32> to vector<512x256xf32>
    %add3A_9 = arith.addf %dot_general3A_5, %add3A : vector<512x256xf32>
    %get3A_10 = arith.constant 0 : index
    %get3A_11 = arith.constant 0 : index
    %get3A_12 = vector.load %arg4[%get3A_10, %get3A_11] : memref<1x256xf32, #tpu.memory_space<vmem>>, vector<1x256xf32>
    %get3A_13 = arith.constant 0 : index
    %get3A_14 = arith.constant 0 : index
    %get3A_15 = vector.load %arg7[%get3A_13, %get3A_14] : memref<1x256xf32, #tpu.memory_space<vmem>>, vector<1x256xf32>
    %add3A_16 = arith.constant 9.99999974E-6 : f32
    %add3A_17 = vector.broadcast %add3A_16 : f32 to vector<1x256xf32>
    %add3A_18 = arith.addf %get3A_15, %add3A_17 : vector<1x256xf32>
    %rsqrt3A = math.rsqrt %add3A_18 : vector<1x256xf32>
    %mul3A = arith.mulf %get3A_12, %rsqrt3A : vector<1x256xf32>
    %get3A_19 = arith.constant 0 : index
    %get3A_20 = arith.constant 0 : index
    %get3A_21 = vector.load %arg6[%get3A_19, %get3A_20] : memref<1x256xf32, #tpu.memory_space<vmem>>, vector<1x256xf32>
    %sub3A = vector.broadcast %get3A_21 : vector<1x256xf32> to vector<512x256xf32>
    %sub3A_22 = arith.subf %add3A_9, %sub3A : vector<512x256xf32>
    %mul3A_23 = vector.broadcast %mul3A : vector<1x256xf32> to vector<512x256xf32>
    %mul3A_24 = arith.mulf %sub3A_22, %mul3A_23 : vector<512x256xf32>
    %get3A_25 = arith.constant 0 : index
    %get3A_26 = arith.constant 0 : index
    %get3A_27 = vector.load %arg5[%get3A_25, %get3A_26] : memref<1x256xf32, #tpu.memory_space<vmem>>, vector<1x256xf32>
    %add3A_28 = vector.broadcast %get3A_27 : vector<1x256xf32> to vector<512x256xf32>
    %add3A_29 = arith.addf %mul3A_24, %add3A_28 : vector<512x256xf32>
    %max3A = arith.constant 0.000000e+00 : f32
    %max3A_30 = vector.broadcast %max3A : f32 to vector<512x256xf32>
    %max3A_31 = arith.maximumf %add3A_29, %max3A_30 : vector<512x256xf32>
    %get3A_32 = arith.constant 0 : index
    %get3A_33 = arith.constant 0 : index
    %get3A_34 = vector.load %arg8[%get3A_32, %get3A_33] : memref<256x128xf32, #tpu.memory_space<vmem>>, vector<256x128xf32>
    %dot_general3A_35 = arith.constant dense<0.000000e+00> : vector<512x128xf32>
    %dot_general3A_36 = tpu.matmul %max3A_31, %get3A_34, %dot_general3A_35 {dimension_numbers = #tpu.dot_dimension_numbers<[1], [0], [0], [1], [0, 0, 1, 1], [], []>, transpose_lhs_hint = false} : vector<512x256xf32>, vector<256x128xf32>, vector<512x128xf32> -> vector<512x128xf32>
    %get3A_37 = arith.constant 0 : index
    %get3A_38 = arith.constant 0 : index
    %get3A_39 = vector.load %arg9[%get3A_37, %get3A_38] : memref<1x128xf32, #tpu.memory_space<vmem>>, vector<1x128xf32>
    %add3A_40 = vector.broadcast %get3A_39 : vector<1x128xf32> to vector<512x128xf32>
    %add3A_41 = arith.addf %dot_general3A_36, %add3A_40 : vector<512x128xf32>
    %reduce_max3A = arith.constant dense<0xFF800000> : vector<512xf32>
    %reduce_max3A_42 = vector.multi_reduction <maximumf>, %add3A_41, %reduce_max3A [1] : vector<512x128xf32> to vector<512xf32>
    %max3A_43 = arith.constant 0xFF800000 : f32
    %max3A_44 = vector.broadcast %max3A_43 : f32 to vector<512xf32>
    %max3A_45 = arith.maximumf %max3A_44, %reduce_max3A_42 : vector<512xf32>
    %broadcast_in_dim3A = vector.shape_cast %max3A_45 : vector<512xf32> to vector<512x1xf32>
    %sub3A_46 = vector.broadcast %broadcast_in_dim3A : vector<512x1xf32> to vector<512x128xf32>
    %sub3A_47 = arith.subf %add3A_41, %sub3A_46 : vector<512x128xf32>
    %exp3A = math.exp %sub3A_47 : vector<512x128xf32>
    %reduce_sum3A = arith.constant dense<0.000000e+00> : vector<512xf32>
    %reduce_sum3A_48 = vector.multi_reduction <add>, %exp3A, %reduce_sum3A [1] : vector<512x128xf32> to vector<512xf32>
    %broadcast_in_dim3A_49 = vector.shape_cast %reduce_sum3A_48 : vector<512xf32> to vector<512x1xf32>
    %div3A = vector.broadcast %broadcast_in_dim3A_49 : vector<512x1xf32> to vector<512x128xf32>
    %div3A_50 = arith.divf %exp3A, %div3A : vector<512x128xf32>
    %swap3A = arith.constant 0 : index
    %swap3A_51 = arith.constant 0 : index
    %swap3A_52 = vector.load %arg10[%swap3A, %swap3A_51] : memref<512x128xf32, #tpu.memory_space<vmem>>, vector<512x128xf32>
    tpu.vector_store %arg10[%swap3A, %swap3A_51], %div3A_50 {strides = array<i32>} : memref<512x128xf32, #tpu.memory_space<vmem>>, vector<512x128xf32>,
    return
  }
  func.func @transform_0(%arg0: i32) -> (i32, i32) {
    %c0_i32 = arith.constant 0 : i32
    %c0_i32_0 = arith.constant 0 : i32
    return %arg0, %c0_i32 : i32, i32
  }
  func.func @transform_1(%arg0: i32) -> (i32, i32) {
    %c0_i32 = arith.constant 0 : i32
    %c0_i32_0 = arith.constant 0 : i32
    %c0_i32_1 = arith.constant 0 : i32
    return %c0_i32, %c0_i32_0 : i32, i32
  }
  func.func @transform_2(%arg0: i32) -> (i32, i32) {
    %c0_i32 = arith.constant 0 : i32
    %c0_i32_0 = arith.constant 0 : i32
    %c0_i32_1 = arith.constant 0 : i32
    return %c0_i32, %c0_i32_0 : i32, i32
  }
  func.func @transform_3(%arg0: i32) -> (i32, i32) {
    %c0_i32 = arith.constant 0 : i32
    %c0_i32_0 = arith.constant 0 : i32
    %c0_i32_1 = arith.constant 0 : i32
    return %c0_i32, %c0_i32_0 : i32, i32
  }
  func.func @transform_4(%arg0: i32) -> (i32, i32) {
    %c0_i32 = arith.constant 0 : i32
    %c0_i32_0 = arith.constant 0 : i32
    %c0_i32_1 = arith.constant 0 : i32
    return %c0_i32, %c0_i32_0 : i32, i32
  }
  func.func @transform_5(%arg0: i32) -> (i32, i32) {
    %c0_i32 = arith.constant 0 : i32
    %c0_i32_0 = arith.constant 0 : i32
    %c0_i32_1 = arith.constant 0 : i32
    return %c0_i32, %c0_i32_0 : i32, i32
  }
  func.func @transform_6(%arg0: i32) -> (i32, i32) {
    %c0_i32 = arith.constant 0 : i32
    %c0_i32_0 = arith.constant 0 : i32
    %c0_i32_1 = arith.constant 0 : i32
    return %c0_i32, %c0_i32_0 : i32, i32
  }
  func.func @transform_7(%arg0: i32) -> (i32, i32) {
    %c0_i32 = arith.constant 0 : i32
    %c0_i32_0 = arith.constant 0 : i32
    %c0_i32_1 = arith.constant 0 : i32
    return %c0_i32, %c0_i32_0 : i32, i32
  }
  func.func @transform_8(%arg0: i32) -> (i32, i32) {
    %c0_i32 = arith.constant 0 : i32
    %c0_i32_0 = arith.constant 0 : i32
    %c0_i32_1 = arith.constant 0 : i32
    return %c0_i32, %c0_i32_0 : i32, i32
  }
  func.func @transform_9(%arg0: i32) -> (i32, i32) {
    %c0_i32 = arith.constant 0 : i32
    %c0_i32_0 = arith.constant 0 : i32
    return %arg0, %c0_i32 : i32, i32
  }
}

</mosaic_0001>

<sc_bundles>
// kernel: kernel.5.cloned.1.call-start
scs
__scs_entry_jumppad:
0x0: {  	(pc) =	sbr.rel $0x88, $3  }
0x1: {  	(tag) =	ssettag $0x0;
	lr =	simm.s32 $0x1  }
0x2: {  	[smem:$0x3F97] =	sst lr;
	_ =	strace $0xD0000000  }
0x3: {  	_ = 	snop  }
0x4: {  	_ = 	snop  }
0x5: {  	_ = 	snop  }
0x6: {  	_ = 	snop  }
0x7: {  	_ = 	snop  }
__scs_overlays_trampoline_lowered:
0x8: {  	[smem:$0x3FA6] =	sst s0  }
0x9: {  	[smem:$0x3FA7] =	sst s1  }
0xa: {  	[smem:$0x3FA8] =	sst s2  }
0xb: {  	[smem:$0x3FA9] =	sst s3  }
0xc: {  	[smem:$0x3FAA] =	sst s4  }
0xd: {  	[smem:$0x3FAB] =	sst s5  }
0xe: {  	[smem:$0x3FAC] =	sst s6  }
0xf: {  	[smem:$0x3FAD] =	sst s7  }
0x10: {  	[smem:$0x3FAE] =	sst s8  }
0x11: {  	[smem:$0x3FAF] =	sst s9;
	s0 =	simm.s32 @!p0 $0x0  }
0x12: {  	s1 =	sld [smem:$0x3F95];
	s0 =	simm.s32 @p0 $0x1  }
0x13: {  	[smem:$0x3FB0] =	sst s0;
	s0 =	simm.s32 @!p1 $0x0  }
0x14: {  	s2 =	sld [smem:$0x3F94];
	s0 =	simm.s32 @p1 $0x1  }
0x15: {  	[smem:$0x3FB1] =	sst s0;
	s0 =	simm.s32 @!p2 $0x0  }
0x16: {  	s3 =	sld [smem:$0x3FDB];
	s0 =	simm.s32 @p2 $0x1  }
0x17: {  	s4 =	simm.s32 $0x1BF5;
	[smem:$0x3FB3] =	sst s0  }
0x18: {  	s0 =	sld [smem:$0x3F96];
	_ =	swait.ge [sflag:s4], $0x0  }
0x19: {  	s7 =	sld [smem:$0x3F97]  }
0x1a: {  	s8 =	sadd.s32 $0xFFFFE003, lr  }
0x1b: {  	s9 =	sadd.s32 $0xFFFFFEF7, lr;
	s5 =	simm.s32 $0xFFFFFFFF;
	p2 =	slt.u32 s8, $0xFFFFF086  }
0x1c: {  	p1 =	slt.u32 s9, $0xF7A;
	s5 =	simm.s32 @!p2 $0x0  }
0x1d: {  	s5 =	simm.s32 @p1 $0x1;
	p0 =	seq.s32 s7, s2  }
0x1e: {  	s7 =	smul.u32 @!p0 $0xF7A, s2;
	p2 =	seq.s32 @!p0 s5, $0x0  }
0x1f: {  	s9 =	smul.u32 $0xF7A, s1;
	s8 =	simm.s32 @!p0 $0x1BF5;
	p2 =	por !p2, p0  }
0x20: {  	[sflag:s8] =	ssyncset.s32 @!p0 $0xFFFFF086;
	s6 =	sadd.s32 @!p0 s3, s7;
	s7 =	simm.s32 @!p0 $0x108  }
0x21: {  	s3 =	sadd.s32 s3, s9;
	s6 =	sadd.s32 @!p0 $0x88, s6;
	s7 =	simm.s32 @p2 $0x1082  }
0x22: {  	[simem:s7], [sflag:s8] =	dma.local @!p0 [hbm:s6], $0xF7A  }
0x23: {  	s9 =	sor.u32 $0xD0000000, s2;
	s6 =	simm.s32 $0x108;
	_ =	swait.ge @!p0 [sflag:s8], $0x0  }
0x24: {  	s3 =	sadd.s32 $0x88, s3;
	s6 =	simm.s32 @!p1 $0x1082;
	[sflag:s4] =	ssyncset.s32 $0xFFFFF086  }
0x25: {  	[simem:s6], [sflag:s4] =	dma.local [hbm:s3], $0xF7A  }
0x26: {  	[smem:$0x3F97] =	sst s1;
	(tag) =	ssettag s2;
	_ =	strace s9  }
0x27: {  	s1 =	sld [smem:$0x3FA7]  }
0x28: {  	s2 =	sld [smem:$0x3FA8]  }
0x29: {  	s4 =	sld [smem:$0x3FAA]  }
0x2a: {  	p0 =	seq.s32 s5, $0x0;
	s5 =	sld [smem:$0x3FAB]  }
0x2b: {  	s6 =	sld [smem:$0x3FAC]  }
0x2c: {  	s7 =	sld [smem:$0x3FAD]  }
0x2d: {  	s3 =	simm.s32 $0x108;
	s8 =	sld [smem:$0x3FAE]  }
0x2e: {  	s3 =	simm.s32 @!p0 $0x1082;
	s9 =	sld [smem:$0x3FAF]  }
0x2f: {  	lr =	sadd.s32 s0, s3;
	s0 =	sld [smem:$0x3FA6]  }
0x30: {  	s3 =	sld [smem:$0x3FA9]  }
0x31: {  	[smem:$0x3FB2] =	sst s10  }
0x32: {  	s10 =	sld [smem:$0x3FB0];
	_ =	sdelay $0x3  }
0x33: {  	p0 =	seq.s32 s10, $0x1;
	s10 =	sld [smem:$0x3FB2];
	_ =	sdelay $0x3  }
0x34: {  	[smem:$0x3FB2] =	sst s10  }
0x35: {  	s10 =	sld [smem:$0x3FB1];
	_ =	sdelay $0x3  }
0x36: {  	p1 =	seq.s32 s10, $0x1;
	s10 =	sld [smem:$0x3FB2];
	_ =	sdelay $0x3  }
0x37: {  	[smem:$0x3FB2] =	sst s10  }
0x38: {  	s10 =	sld [smem:$0x3FB3]  }
0x39: {  	_ = 	snop;
	(pc) =	sbr.ind lr, $3  }
0x3a: {  	_ = 	snop  }
0x3b: {  	_ = 	snop  }
0x3c: {  	p2 =	seq.s32 s10, $0x1;
	s10 =	sld [smem:$0x3FB2]  }
0x3d: {  	_ =	shalt  }
0x3e: {  	_ =	shalt  }
0x3f: {  	_ =	shalt  }
0x40: {  	_ =	shalt  }
0x41: {  	_ =	shalt  }
0x42: {  	_ =	shalt  }
0x43: {  	_ =	shalt  }
0x44: {  	_ =	shalt  }
0x45: {  	_ =	shalt  }
0x46: {  	_ =	shalt  }
0x47: {  	_ =	shalt  }
0x48: {  	_ =	shalt  }
0x49: {  	_ =	shalt  }
0x4a: {  	_ =	shalt  }
0x4b: {  	_ =	shalt  }
0x4c: {  	_ =	shalt  }
0x4d: {  	_ =	shalt  }
0x4e: {  	_ =	shalt  }
0x4f: {  	_ =	shalt  }
0x50: {  	_ =	shalt  }
0x51: {  	_ =	shalt  }
0x52: {  	_ =	shalt  }
0x53: {  	_ =	shalt  }
0x54: {  	_ =	shalt  }
0x55: {  	_ =	shalt  }
0x56: {  	_ =	shalt  }
0x57: {  	_ =	shalt  }
0x58: {  	_ =	shalt  }
0x59: {  	_ =	shalt  }
0x5a: {  	_ =	shalt  }
0x5b: {  	_ =	shalt  }
0x5c: {  	_ =	shalt  }
0x5d: {  	_ =	shalt  }
0x5e: {  	_ =	shalt  }
0x5f: {  	_ =	shalt  }
0x60: {  	_ =	shalt  }
0x61: {  	_ =	shalt  }
0x62: {  	_ =	shalt  }
0x63: {  	_ =	shalt  }
0x64: {  	_ =	shalt  }
0x65: {  	_ =	shalt  }
0x66: {  	_ =	shalt  }
0x67: {  	_ =	shalt  }
0x68: {  	_ =	shalt  }
0x69: {  	_ =	shalt  }
0x6a: {  	_ =	shalt  }
0x6b: {  	_ =	shalt  }
0x6c: {  	_ =	shalt  }
0x6d: {  	_ =	shalt  }
0x6e: {  	_ =	shalt  }
0x6f: {  	_ =	shalt  }
0x70: {  	_ =	shalt  }
0x71: {  	_ =	shalt  }
0x72: {  	_ =	shalt  }
0x73: {  	_ =	shalt  }
0x74: {  	_ =	shalt  }
0x75: {  	_ =	shalt  }
0x76: {  	_ =	shalt  }
0x77: {  	_ =	shalt  }
0x78: {  	_ =	shalt  }
0x79: {  	_ =	shalt  }
0x7a: {  	_ =	shalt  }
0x7b: {  	_ =	shalt  }
0x7c: {  	_ =	shalt  }
0x7d: {  	_ =	shalt  }
0x7e: {  	_ =	shalt  }
0x7f: {  	_ =	shalt  }
0x80: {  	_ =	shalt  }
0x81: {  	_ =	shalt  }
0x82: {  	_ =	shalt  }
0x83: {  	_ =	shalt  }
0x84: {  	_ =	shalt  }
0x85: {  	_ =	shalt  }
0x86: {  	_ =	shalt  }
0x87: {  	_ =	shalt  }
.Lfunc_end0:
.L_simem_size_0:
called_computation_lowered:
.L_overlay_start_0:
0x88: {  	s2 =	sld [smem:$0x3FD9]  }
0x89: {  	s3 =	sld [smem:$0x3FFE];
	_ =	sdelay $0x1  }
0x8a: {  	s1 =	srdreg.scid  }
0x8b: {  	s0 =	sand.u32 $0x1, s1  }
0x8c: {  	s16 =	sshll.u32 s0, $0xA;
	s2 =	sadd.s32 s3, s2  }
0x8d: {  	s2 =	sadd.s32 s2, s16  }
0x8e: {  	[smem:$0x3FBE] =	sst s2  }
0x8f: {  	_ = 	snop  }
0x90: {  	(tm) =	ssettm $0x1  }
0x91: {  	s17 =	sld [smem:$0x3FFB];
	_ =	sdelay $0x3  }
0x92: {  	_ =	strace s17  }
0x93: {  	s2 =	sld [smem:$0x3FFC];
	_ =	sdelay $0x3  }
0x94: {  	_ =	strace s2  }
0x95: {  	s2 =	sld [smem:$0x3FFD];
	_ =	sdelay $0x3  }
0x96: {  	_ =	strace s2  }
0x97: {  	_ =	strace $0x8FFFFFFF  }
0x98: {  	s18 =	sld [smem:$0x3FDB];
	_ =	sdelay $0x1  }
0x99: {  	s19 =	simm.s32 $_scs_section_size  }
0x9a: {  	s4 =	simm.s32 $_size__tile_overlayer_lowered;
	s5 =	simm.s32 $_tile_overlayer_lowered  }
0x9b: {  	s22 =	simm.s32 $0x1BFF;
	s21 =	sshll.u32 s5, $0x1;
	s2 =	sadd.s32 s19, s18  }
0x9c: {  	s6 =	simm.s32 $0x0;
	s20 =	sshll.u32 s4, $0x1;
	s4 =	sadd.s32 s21, s2  }
0x9d: {  	[timem:s6], [sflag:s22] =	dma.local [hbm:s4], s20  }
0x9e: {  	_ =	swait.ge [sflag:s22], s20  }
0x9f: {  	s3 =	ssub.s32 $0x0, s20;
	[sflag:s22] =	ssyncset.done $0x0  }
0xa0: {  	[sflag:s22] =	ssyncadd.s32 s3;
	_ =	sdelay $0x1  }
0xa1: {  	s23 =	simm.s32 $0x1B8B  }
0xa2: {  	_ =	swait.ge [sflag:s23], $0x1  }
0xa3: {  	[sflag:s23] =	ssyncset.done $0x0  }
0xa4: {  	s25 =	simm.s32 $0x1B8E;
	s24 =	sld [smem:$0x3FFE];
	[sflag:s23] =	ssyncadd.s32 $0xFFFFFFFF  }
0xa5: {  	s26 =	simm.s32 $execute0_lowered;
	[smem:$0x3FD2] =	sst s25  }
0xa6: {  	s4 =	sshll.u32 s26, $0x1;
	_ =	strace $0x80000046;
	[dreg:$0x1] =	wrdreg $0xFFFFFFFF  }
0xa7: {  	s28 =	simm.s32 $_size_execute0_lowered;
	s2 =	sadd.s32 s2, s4;
	[dreg:$0x0] =	wrdreg $0x0  }
0xa8: {  	s4 =	sshll.u32 s28, $0x1;
	[dreg:$0x2] =	wrdreg s2  }
0xa9: {  	[dreg:$0x3] =	wrdreg s4  }
0xaa: {  	[dreg:$0x4] =	wrdreg $0xC0  }
0xab: {  	_ =	task [dreg:s6], $0x5FFFF  }
0xac: {  	[dreg:$0x1] =	wrdreg $0xFFFFFFFF  }
0xad: {  	[dreg:$0x0] =	wrdreg $0x60  }
0xae: {  	[dreg:$0x2] =	wrdreg s24  }
0xaf: {  	[dreg:$0x3] =	wrdreg $0x9  }
0xb0: {  	_ =	task.clear_ibuf [dreg:s6], $0x4FFFF;
	_ =	strace $0x90000046  }
0xb1: {  	s29 =	simm.s32 $0x9;
	_ =	strace $0x80000048  }
0xb2: {  	_ =	swait.ge [sflag:s29], $0x1  }
0xb3: {  	[sflag:s29] =	ssyncadd.s32 $0xFFFFFFFF  }
0xb4: {  	_ =	strace $0x90000048  }
0xb5: {  	_ =	sfence  }
0xb6: {  	s30 =	sld [smem:$0x0];
	_ =	sdelay $0x2  }
0xb7: {  	s31 =	sshll.u32 s1, $0xD;
	s1 =	sshrl.u32 s1, $0x2  }
0xb8: {  	s3 =	sand.u32 $0x4000, s31;
	s1 =	sadd.s32 s1, s30  }
0xb9: {  	s0 =	sor.u32 s3, s0;
	s1 =	sshll.u32 s1, $0x11  }
0xba: {  	s0 =	sor.u32 s1, s0  }
0xbb: {  	s0 =	sadd.s32 $0x8F2B, s0  }
0xbc: {  	[sflag:s0] =	ssyncadd.remote.s32 $0x1  }
0xbd: {  	_ =	sfence.sel $0xFFFF  }
0xbe: {  	[dreg:$0x0] =	wrdreg $0xFFFFFFFF;
	(pc) =	sbr.abs _section_cstart, $3  }
0xbf: {  	[dreg:$0x1] =	wrdreg $0xFFFFFFFF  }
0xc0: {  	_ =	task.clear_ibuf [dreg:s6], $0x2FFFF;
	_ =	strace $0x9FFFFFFF  }
0xc1: {  	(tm) =	ssettm $0x7FFFFFFF  }
tec
execute0_lowered:
.L_overlay_start_1:
0x0: {  	(tag) =	ssettag $0x1  }
0x1: {  	s1 =	srdreg.scid  }
0x2: {  	s0 =	stileid.u32;
	s6 =	rddreg [dreg:$0x0];
	s2 =	simm.s32 $0x0  }
0x3: {  	s9 =	simm.s32 $0x4;
	s10 =	simm.s32 $0xC8;
	s11 =	simm.s32 $0x6400  }
0x4: {  	s12 =	simm.s32 $0xC800;
	s13 =	simm.s32 $0x190;
	s14 =	simm.s32 $0x12C00  }
0x5: {  	s15 =	simm.s32 $0x3;
	s16 =	simm.s32 $0x19000;
	s17 =	simm.s32 $0x2  }
0x6: {  	s18 =	simm.s32 $0x1;
	s3 =	sand.u32 $0x1, s1;
	s28 =	sshll.u32 s0, $0x1  }
0x7: {  	s19 =	simm.s32 $0x0;
	s29 =	sshrl.u32 s0, $0x2;
	s4 =	sor.u32 s3, s28  }
0x8: {  	[smem:$0x7FF] =	sst s2;
	s5 =	smul.u32 $0x32000, s29;
	s30 =	sshll.u32 s4, $0x7  }
0x9: {  	s1 =	rddreg [dreg:$0x1];
	_ =	strace $0x80000047;
	s7 =	sand.u32 $0x380, s30  }
.Ltmp0:
0xa: {  	s31 =	ssub.s32 $0x2, s3;
	s5 =	sor.u32 s5, s7;
	(pc) =	sbr.rel .LBB2_1-.Ltmp0, $4  }
0xb: {  	s3 =	sadd.s32 $0x1A200, s6;
	s8 =	sshrl.u32 s31, $0x1;
	s5 =	sshrl.u32 s5, $0x3  }
0xc: {  	s4 =	sshll.u32 s4, $0xB;
	s7 =	ssub.s32 s31, s8;
	s5 =	sadd.s32 s5, s6  }
0xd: {  	s8 =	simm.s32 $0x400;
	s6 =	sadd.s32 s4, s6;
	s4 =	sadd.s32 $0x1200, s5  }
0xe: {  	v0 =	vimm.f32 $0.0e+00;
	s5 =	sadd.s32 $0xF5C600, s6;
	s6 =	smax.u32 s7, $0x1;
	s7 =	simm.s32 $0x80  }
.LBB2_16:
0xf: {  	s19 =	sadd.s32 $0x1, s19  }
0x10: {  	p0 =	sne.s32 s19, s6  }
.Ltmp1:
0x11: {  	_ = 	snop;
	(pc) =	sbr.rel @!p0 .LBB2_17-.Ltmp1, $4  }
0x12: {  	[hbm4b:s5+s2] =	stream.linear.scatter [tilespmem:s16], [sflag:$0x4], $0x4000, $0x38;
	[tilespmem:$0x1D000] =	vst v63  }
0x13: {  	_ =	swait.ge [sflag:s9], $0x4000  }
0x14: {  	[sflag:s9] =	ssyncset.done $0x0  }
0x15: {  	[sflag:s9] =	ssyncadd.s32 $0xFFFFC000  }
.LBB2_1:
0x16: {  	[tilespmem:s2], [sflag:$0x4] =	stream.strided.gather [hbm4b:s4+s7], $0x6400, s8, s7, $0x38;
	[tilespmem:$0x1D000] =	vst v63  }
0x17: {  	_ =	swait.ge [sflag:s9], $0x6400  }
0x18: {  	[sflag:s9] =	ssyncset.done $0x0  }
0x19: {  	s20 =	simm.s32 $0x0;
	s21 =	simm.s32 $0x200;
	[sflag:s9] =	ssyncadd.s32 $0xFFFF9C00  }
.LBB2_2:
0x1a: {  	p0 =	sne.s32 s21, $0xFE00;
	[tilespmem:s20+$0x19070] =	vst v0  }
0x1b: {  	[tilespmem:s20+$0x19000] =	vst v0  }
0x1c: {  	[tilespmem:s20+$0x19010] =	vst v0  }
.Ltmp2:
0x1d: {  	[tilespmem:s20+$0x19020] =	vst v0;
	(pc) =	sbr.rel @p0 .LBB2_2-.Ltmp2, $4  }
0x1e: {  	[tilespmem:s20+$0x19030] =	vst v0  }
0x1f: {  	[tilespmem:s20+$0x19040] =	vst v0  }
0x20: {  	[tilespmem:s20+$0x19050] =	vst v0  }
0x21: {  	[tilespmem:s20+$0x19060] =	vst v0;
	s20 =	sshra.s32 s21, $0x2;
	s21 =	sadd.s32 $0x200, s21  }
0x22: {  	[tilespmem:s20+$0x19070] =	vst v0  }
0x23: {  	[tilespmem:s20+$0x19000] =	vst v0  }
0x24: {  	[tilespmem:s20+$0x19010] =	vst v0  }
0x25: {  	[tilespmem:s20+$0x19020] =	vst v0  }
0x26: {  	[tilespmem:s20+$0x19030] =	vst v0  }
0x27: {  	[tilespmem:s20+$0x19040] =	vst v0  }
0x28: {  	[tilespmem:s20+$0x19050] =	vst v0  }
0x29: {  	[tilespmem:s20+$0x19060] =	vst v0;
	s20 =	simm.s32 $0x0  }
0x2a: {  	[tilespmem:s11], [sflag:$0x1] =	stream.indirect.gather [hbm4b:s3+s10], $0x80, s20, s10, $0xb8;
	[tilespmem:$0x1D000] =	vst v63  }
.Ltmp3:
0x2b: {  	_ = 	snop;
	(pc) =	sbr.rel .LBB2_4-.Ltmp3, $4  }
0x2c: {  	_ = 	snop  }
0x2d: {  	[tilespmem:s12], [sflag:$0x2] =	stream.indirect.gather [hbm4b:s3+s10], $0x80, s10, s10, $0xb8;
	[tilespmem:$0x1D000] =	vst v63  }
0x2e: {  	_ = 	snop  }
0x2f: {  	[tilespmem:s14], [sflag:$0x3] =	stream.indirect.gather [hbm4b:s3+s10], $0x80, s13, s10, $0xb8;
	[tilespmem:$0x1D000] =	vst v63  }
.LBB2_15:
0x30: {  	s20 =	sadd.s32 $0x1, s20  }
0x31: {  	p0 =	sne.s32 s20, $0x80  }
.Ltmp4:
0x32: {  	_ = 	snop;
	(pc) =	sbr.rel @!p0 .LBB2_16-.Ltmp4, $1  }
0x33: {  	_ =	sdelay $0x3  }
.LBB2_4:
0x34: {  	s21 =	smul.u32 $0xAB, s20;
	_ =	sdelay $0x1  }
0x35: {  	s21 =	sshrl.u32 s21, $0x9  }
0x36: {  	s21 =	sand.u32 $0x7F, s21  }
0x37: {  	s21 =	smul.u32 $0x3, s21;
	_ =	sdelay $0x1  }
0x38: {  	s21 =	ssub.s32 s20, s21  }
0x39: {  	s21 =	sand.u32 $0xFF, s21  }
0x3a: {  	p0 =	seq.s32 s21, $0x2  }
.Ltmp5:
0x3b: {  	_ = 	snop;
	(pc) =	sbr.rel @p0 .LBB2_12-.Ltmp5, $1  }
0x3c: {  	_ =	sdelay $0x3  }
0x3d: {  	p0 =	seq.s32 s21, $0x1  }
.Ltmp6:
0x3e: {  	_ = 	snop;
	(pc) =	sbr.rel @!p0 .LBB2_6-.Ltmp6, $1  }
0x3f: {  	_ =	sdelay $0x3  }
0x40: {  	_ =	swait.ge [sflag:s17], $0x6400  }
0x41: {  	[sflag:s17] =	ssyncset.done $0x0  }
0x42: {  	s21 =	simm.s32 $0x0;
	[sflag:s17] =	ssyncadd.s32 $0xFFFF9C00  }
0x43: {  	v3 =	vld [tilespmem:s21+$0xC900]  }
0x44: {  	v5 =	vld [tilespmem:s21+$0xC910]  }
0x45: {  	v4 =	vld [tilespmem:s21+$0xC920]  }
0x46: {  	v6 =	vld [tilespmem:s21+$0xC930]  }
0x47: {  	v1 =	vld [tilespmem:s21+$0xC980]  }
0x48: {  	v2 =	vld [tilespmem:s21+$0xC990]  }
0x49: {  	v19 =	vld [tilespmem:s21+$0xC800]  }
0x4a: {  	v21 =	vld [tilespmem:s21+$0xC810]  }
0x4b: {  	v18 =	vld [tilespmem:s21+$0xC820]  }
0x4c: {  	v20 =	vld [tilespmem:s21+$0xC830]  }
0x4d: {  	v11 =	vimm.f32 $0.0e+00;
	v12 =	vimm.f32 $0.0e+00;
	v15 =	vld [tilespmem:s21+$0xC880]  }
0x4e: {  	v13 =	vimm.f32 $0.0e+00;
	v14 =	vimm.f32 $0.0e+00;
	v7 =	vimm.f32 $0.0e+00;
	v16 =	vld [tilespmem:s21+$0xC890]  }
0x4f: {  	s22 =	simm.s32 $0x800;
	v9 =	vimm.f32 $0.0e+00;
	v10 =	vimm.f32 $0.0e+00;
	v8 =	vimm.f32 $0.0e+00;
	v17 =	vld [tilespmem:s21+$0xC8A0]  }
.LBB2_10:
0x50: {  	p0 =	sne.s32 s22, $0x18800;
	v11 =	vadd.f32 v19, v11;
	v12 =	vadd.f32 v21, v12;
	v19 =	vld [tilespmem:s21+$0xC8B0]  }
0x51: {  	v13 =	vadd.f32 v18, v13;
	v14 =	vadd.f32 v20, v14;
	v18 =	vld [tilespmem:s21+$0xC9A0]  }
0x52: {  	v11 =	vadd.f32 v3, v11;
	v12 =	vadd.f32 v5, v12;
	v20 =	vld [tilespmem:s21+$0xC9B0];
	s21 =	sshra.s32 s22, $0x2  }
0x53: {  	v13 =	vadd.f32 v4, v13;
	v3 =	vld [tilespmem:s21+$0xC900];
	v14 =	vadd.f32 v6, v14  }
0x54: {  	v7 =	vadd.f32 v15, v7;
	v9 =	vadd.f32 v16, v9;
	v5 =	vld [tilespmem:s21+$0xC910]  }
0x55: {  	v10 =	vadd.f32 v17, v10;
	v4 =	vld [tilespmem:s21+$0xC920];
	v8 =	vadd.f32 v19, v8  }
0x56: {  	v7 =	vadd.f32 v1, v7;
	v9 =	vadd.f32 v2, v9;
	v6 =	vld [tilespmem:s21+$0xC930]  }
0x57: {  	v10 =	vadd.f32 v18, v10;
	v1 =	vld [tilespmem:s21+$0xC980];
	v8 =	vadd.f32 v20, v8  }
0x58: {  	v2 =	vld [tilespmem:s21+$0xC990]  }
0x59: {  	v19 =	vld [tilespmem:s21+$0xC800]  }
0x5a: {  	v21 =	vld [tilespmem:s21+$0xC810]  }
.Ltmp7:
0x5b: {  	v18 =	vld [tilespmem:s21+$0xC820];
	(pc) =	sbr.rel @p0 .LBB2_10-.Ltmp7, $4  }
0x5c: {  	v20 =	vld [tilespmem:s21+$0xC830]  }
0x5d: {  	v15 =	vld [tilespmem:s21+$0xC880]  }
0x5e: {  	v16 =	vld [tilespmem:s21+$0xC890]  }
0x5f: {  	s22 =	sadd.s32 $0x800, s22;
	v17 =	vld [tilespmem:s21+$0xC8A0]  }
0x60: {  	v11 =	vadd.f32 v19, v11;
	v12 =	vadd.f32 v21, v12  }
0x61: {  	v59 =	vld [tilespmem:s21+$0xC8B0];
	v13 =	vadd.f32 v18, v13;
	v14 =	vadd.f32 v20, v14  }
0x62: {  	v60 =	vld [tilespmem:s21+$0xC9A0];
	v3 =	vadd.f32 v3, v11;
	v5 =	vadd.f32 v5, v12  }
0x63: {  	v61 =	vld [tilespmem:s21+$0xC9B0];
	v4 =	vadd.f32 v4, v13;
	v7 =	vadd.f32 v15, v7  }
0x64: {  	v6 =	vadd.f32 v6, v14;
	v9 =	vadd.f32 v16, v9  }
0x65: {  	v10 =	vadd.f32 v17, v10;
	v1 =	vadd.f32 v1, v7  }
0x66: {  	v62 =	vadd.f32 v59, v8;
	v2 =	vadd.f32 v2, v9  }
0x67: {  	v63 =	vadd.f32 v60, v10;
	v1 =	vadd.f32 v1, v3  }
0x68: {  	v3 =	vadd.f32 v61, v62;
	v2 =	vadd.f32 v2, v5  }
0x69: {  	s31 =	sshll.u32 s20, $0x7;
	p0 =	sgt.u32 s20, $0x7C;
	v1 =	vmul.f32 $4.999999890e-03, v1;
	v4 =	vadd.f32 v63, v4  }
0x6a: {  	s21 =	sand.u32 $0x3FFFFF80, s31;
	s22 =	smul.u32 @!p0 $0x320, s20;
	v2 =	vmul.f32 $4.999999890e-03, v2;
	v3 =	vadd.f32 v3, v6  }
.Ltmp8:
0x6b: {  	[tilespmem:s21+$0x19000] =	vst v1;
	v1 =	vmul.f32 $4.999999890e-03, v4;
	(pc) =	sbr.rel .LBB2_15-.Ltmp8, $4  }
0x6c: {  	[tilespmem:s21+$0x19010] =	vst v2;
	v2 =	vmul.f32 $4.999999890e-03, v3  }
0x6d: {  	s22 =	sshra.s32 @!p0 s22, $0x2;
	[tilespmem:s21+$0x19020] =	vst v1  }
0x6e: {  	s23 =	simm.s32 @!p0 $0xC800;
	[tilespmem:s21+$0x19030] =	vst v2;
	s21 =	sadd.s32 @!p0 $0x258, s22;
	s22 =	simm.s32 @!p0 $0xC8  }
0x6f: {  	[tilespmem:s23], [sflag:$0x2] =	stream.indirect.gather @!p0 [hbm4b:s3+s22], $0x80, s21, s22, $0xb8;
	[tilespmem:$0x1D000] =	vst v63  }
.LBB2_12:
0x70: {  	_ =	swait.ge [sflag:s15], $0x6400  }
0x71: {  	[sflag:s15] =	ssyncset.done $0x0  }
0x72: {  	s21 =	simm.s32 $0x0;
	[sflag:s15] =	ssyncadd.s32 $0xFFFF9C00  }
0x73: {  	v3 =	vld [tilespmem:s21+$0x12D00]  }
0x74: {  	v5 =	vld [tilespmem:s21+$0x12D10]  }
0x75: {  	v4 =	vld [tilespmem:s21+$0x12D20]  }
0x76: {  	v6 =	vld [tilespmem:s21+$0x12D30]  }
0x77: {  	v1 =	vld [tilespmem:s21+$0x12D80]  }
0x78: {  	v2 =	vld [tilespmem:s21+$0x12D90]  }
0x79: {  	v19 =	vld [tilespmem:s21+$0x12C00]  }
0x7a: {  	v21 =	vld [tilespmem:s21+$0x12C10]  }
0x7b: {  	v18 =	vld [tilespmem:s21+$0x12C20]  }
0x7c: {  	v20 =	vld [tilespmem:s21+$0x12C30]  }
0x7d: {  	v11 =	vimm.f32 $0.0e+00;
	v12 =	vimm.f32 $0.0e+00;
	v15 =	vld [tilespmem:s21+$0x12C80]  }
0x7e: {  	v13 =	vimm.f32 $0.0e+00;
	v14 =	vimm.f32 $0.0e+00;
	v7 =	vimm.f32 $0.0e+00;
	v16 =	vld [tilespmem:s21+$0x12C90]  }
0x7f: {  	s22 =	simm.s32 $0x800;
	v9 =	vimm.f32 $0.0e+00;
	v10 =	vimm.f32 $0.0e+00;
	v8 =	vimm.f32 $0.0e+00;
	v17 =	vld [tilespmem:s21+$0x12CA0]  }
.LBB2_13:
0x80: {  	p0 =	sne.s32 s22, $0x18800;
	v11 =	vadd.f32 v19, v11;
	v12 =	vadd.f32 v21, v12;
	v19 =	vld [tilespmem:s21+$0x12CB0]  }
0x81: {  	v13 =	vadd.f32 v18, v13;
	v14 =	vadd.f32 v20, v14;
	v18 =	vld [tilespmem:s21+$0x12DA0]  }
0x82: {  	v11 =	vadd.f32 v3, v11;
	v12 =	vadd.f32 v5, v12;
	v20 =	vld [tilespmem:s21+$0x12DB0];
	s21 =	sshra.s32 s22, $0x2  }
0x83: {  	v13 =	vadd.f32 v4, v13;
	v3 =	vld [tilespmem:s21+$0x12D00];
	v14 =	vadd.f32 v6, v14  }
0x84: {  	v7 =	vadd.f32 v15, v7;
	v9 =	vadd.f32 v16, v9;
	v5 =	vld [tilespmem:s21+$0x12D10]  }
0x85: {  	v10 =	vadd.f32 v17, v10;
	v4 =	vld [tilespmem:s21+$0x12D20];
	v8 =	vadd.f32 v19, v8  }
0x86: {  	v7 =	vadd.f32 v1, v7;
	v9 =	vadd.f32 v2, v9;
	v6 =	vld [tilespmem:s21+$0x12D30]  }
0x87: {  	v10 =	vadd.f32 v18, v10;
	v1 =	vld [tilespmem:s21+$0x12D80];
	v8 =	vadd.f32 v20, v8  }
0x88: {  	v2 =	vld [tilespmem:s21+$0x12D90]  }
0x89: {  	v19 =	vld [tilespmem:s21+$0x12C00]  }
0x8a: {  	v21 =	vld [tilespmem:s21+$0x12C10]  }
.Ltmp9:
0x8b: {  	v18 =	vld [tilespmem:s21+$0x12C20];
	(pc) =	sbr.rel @p0 .LBB2_13-.Ltmp9, $4  }
0x8c: {  	v20 =	vld [tilespmem:s21+$0x12C30]  }
0x8d: {  	v15 =	vld [tilespmem:s21+$0x12C80]  }
0x8e: {  	v16 =	vld [tilespmem:s21+$0x12C90]  }
0x8f: {  	s22 =	sadd.s32 $0x800, s22;
	v17 =	vld [tilespmem:s21+$0x12CA0]  }
0x90: {  	v11 =	vadd.f32 v19, v11;
	v12 =	vadd.f32 v21, v12  }
0x91: {  	v59 =	vld [tilespmem:s21+$0x12CB0];
	v13 =	vadd.f32 v18, v13;
	v14 =	vadd.f32 v20, v14  }
0x92: {  	v60 =	vld [tilespmem:s21+$0x12DA0];
	v3 =	vadd.f32 v3, v11;
	v5 =	vadd.f32 v5, v12  }
0x93: {  	v61 =	vld [tilespmem:s21+$0x12DB0];
	v4 =	vadd.f32 v4, v13;
	v7 =	vadd.f32 v15, v7  }
0x94: {  	v6 =	vadd.f32 v6, v14;
	v9 =	vadd.f32 v16, v9  }
0x95: {  	v10 =	vadd.f32 v17, v10;
	v1 =	vadd.f32 v1, v7  }
0x96: {  	v62 =	vadd.f32 v59, v8;
	v2 =	vadd.f32 v2, v9  }
0x97: {  	v63 =	vadd.f32 v60, v10;
	v1 =	vadd.f32 v1, v3  }
0x98: {  	v3 =	vadd.f32 v61, v62;
	v2 =	vadd.f32 v2, v5  }
0x99: {  	s31 =	sshll.u32 s20, $0x7;
	p0 =	sgt.u32 s20, $0x7C;
	v1 =	vmul.f32 $4.999999890e-03, v1;
	v4 =	vadd.f32 v63, v4  }
0x9a: {  	s21 =	sand.u32 $0x3FFFFF80, s31;
	s22 =	smul.u32 @!p0 $0x320, s20;
	v2 =	vmul.f32 $4.999999890e-03, v2;
	v3 =	vadd.f32 v3, v6  }
.Ltmp10:
0x9b: {  	[tilespmem:s21+$0x19000] =	vst v1;
	v1 =	vmul.f32 $4.999999890e-03, v4;
	(pc) =	sbr.rel .LBB2_15-.Ltmp10, $4  }
0x9c: {  	[tilespmem:s21+$0x19010] =	vst v2;
	v2 =	vmul.f32 $4.999999890e-03, v3  }
0x9d: {  	s22 =	sshra.s32 @!p0 s22, $0x2;
	[tilespmem:s21+$0x19020] =	vst v1  }
0x9e: {  	s23 =	simm.s32 @!p0 $0x12C00;
	[tilespmem:s21+$0x19030] =	vst v2;
	s21 =	sadd.s32 @!p0 $0x258, s22;
	s22 =	simm.s32 @!p0 $0xC8  }
0x9f: {  	[tilespmem:s23], [sflag:$0x3] =	stream.indirect.gather @!p0 [hbm4b:s3+s22], $0x80, s21, s22, $0xb8;
	[tilespmem:$0x1D000] =	vst v63  }
.LBB2_6:
0xa0: {  	_ =	swait.ge [sflag:s18], $0x6400  }
0xa1: {  	[sflag:s18] =	ssyncset.done $0x0  }
0xa2: {  	s21 =	simm.s32 $0x0;
	[sflag:s18] =	ssyncadd.s32 $0xFFFF9C00  }
0xa3: {  	v3 =	vld [tilespmem:s21+$0x6500]  }
0xa4: {  	v5 =	vld [tilespmem:s21+$0x6510]  }
0xa5: {  	v4 =	vld [tilespmem:s21+$0x6520]  }
0xa6: {  	v6 =	vld [tilespmem:s21+$0x6530]  }
0xa7: {  	v1 =	vld [tilespmem:s21+$0x6580]  }
0xa8: {  	v2 =	vld [tilespmem:s21+$0x6590]  }
0xa9: {  	v19 =	vld [tilespmem:s21+$0x6400]  }
0xaa: {  	v21 =	vld [tilespmem:s21+$0x6410]  }
0xab: {  	v18 =	vld [tilespmem:s21+$0x6420]  }
0xac: {  	v20 =	vld [tilespmem:s21+$0x6430]  }
0xad: {  	v11 =	vimm.f32 $0.0e+00;
	v12 =	vimm.f32 $0.0e+00;
	v15 =	vld [tilespmem:s21+$0x6480]  }
0xae: {  	v13 =	vimm.f32 $0.0e+00;
	v14 =	vimm.f32 $0.0e+00;
	v7 =	vimm.f32 $0.0e+00;
	v16 =	vld [tilespmem:s21+$0x6490]  }
0xaf: {  	s22 =	simm.s32 $0x800;
	v9 =	vimm.f32 $0.0e+00;
	v10 =	vimm.f32 $0.0e+00;
	v8 =	vimm.f32 $0.0e+00;
	v17 =	vld [tilespmem:s21+$0x64A0]  }
.LBB2_7:
0xb0: {  	p0 =	sne.s32 s22, $0x18800;
	v11 =	vadd.f32 v19, v11;
	v12 =	vadd.f32 v21, v12;
	v19 =	vld [tilespmem:s21+$0x64B0]  }
0xb1: {  	v13 =	vadd.f32 v18, v13;
	v14 =	vadd.f32 v20, v14;
	v18 =	vld [tilespmem:s21+$0x65A0]  }
0xb2: {  	v11 =	vadd.f32 v3, v11;
	v12 =	vadd.f32 v5, v12;
	v20 =	vld [tilespmem:s21+$0x65B0];
	s21 =	sshra.s32 s22, $0x2  }
0xb3: {  	v13 =	vadd.f32 v4, v13;
	v3 =	vld [tilespmem:s21+$0x6500];
	v14 =	vadd.f32 v6, v14  }
0xb4: {  	v7 =	vadd.f32 v15, v7;
	v9 =	vadd.f32 v16, v9;
	v5 =	vld [tilespmem:s21+$0x6510]  }
0xb5: {  	v10 =	vadd.f32 v17, v10;
	v4 =	vld [tilespmem:s21+$0x6520];
	v8 =	vadd.f32 v19, v8  }
0xb6: {  	v7 =	vadd.f32 v1, v7;
	v9 =	vadd.f32 v2, v9;
	v6 =	vld [tilespmem:s21+$0x6530]  }
0xb7: {  	v10 =	vadd.f32 v18, v10;
	v1 =	vld [tilespmem:s21+$0x6580];
	v8 =	vadd.f32 v20, v8  }
0xb8: {  	v2 =	vld [tilespmem:s21+$0x6590]  }
0xb9: {  	v19 =	vld [tilespmem:s21+$0x6400]  }
0xba: {  	v21 =	vld [tilespmem:s21+$0x6410]  }
.Ltmp11:
0xbb: {  	v18 =	vld [tilespmem:s21+$0x6420];
	(pc) =	sbr.rel @p0 .LBB2_7-.Ltmp11, $4  }
0xbc: {  	v20 =	vld [tilespmem:s21+$0x6430]  }
0xbd: {  	v15 =	vld [tilespmem:s21+$0x6480]  }
0xbe: {  	v16 =	vld [tilespmem:s21+$0x6490]  }
0xbf: {  	s22 =	sadd.s32 $0x800, s22;
	v17 =	vld [tilespmem:s21+$0x64A0]  }
0xc0: {  	v11 =	vadd.f32 v19, v11;
	v12 =	vadd.f32 v21, v12  }
0xc1: {  	v59 =	vld [tilespmem:s21+$0x64B0];
	v13 =	vadd.f32 v18, v13;
	v14 =	vadd.f32 v20, v14  }
0xc2: {  	v60 =	vld [tilespmem:s21+$0x65A0];
	v3 =	vadd.f32 v3, v11;
	v5 =	vadd.f32 v5, v12  }
0xc3: {  	v61 =	vld [tilespmem:s21+$0x65B0];
	v4 =	vadd.f32 v4, v13;
	v7 =	vadd.f32 v15, v7  }
0xc4: {  	v6 =	vadd.f32 v6, v14;
	v9 =	vadd.f32 v16, v9  }
0xc5: {  	v10 =	vadd.f32 v17, v10;
	v1 =	vadd.f32 v1, v7  }
0xc6: {  	v62 =	vadd.f32 v59, v8;
	v2 =	vadd.f32 v2, v9  }
0xc7: {  	v63 =	vadd.f32 v60, v10;
	v1 =	vadd.f32 v1, v3  }
0xc8: {  	v3 =	vadd.f32 v61, v62;
	v2 =	vadd.f32 v2, v5  }
0xc9: {  	s31 =	sshll.u32 s20, $0x7;
	p0 =	sgt.u32 s20, $0x7C;
	v1 =	vmul.f32 $4.999999890e-03, v1;
	v4 =	vadd.f32 v63, v4  }
0xca: {  	s21 =	sand.u32 $0x3FFFFF80, s31;
	s22 =	smul.u32 @!p0 $0x320, s20;
	v2 =	vmul.f32 $4.999999890e-03, v2;
	v3 =	vadd.f32 v3, v6  }
.Ltmp12:
0xcb: {  	[tilespmem:s21+$0x19000] =	vst v1;
	v1 =	vmul.f32 $4.999999890e-03, v4;
	(pc) =	sbr.rel .LBB2_15-.Ltmp12, $4  }
0xcc: {  	[tilespmem:s21+$0x19010] =	vst v2;
	v2 =	vmul.f32 $4.999999890e-03, v3  }
0xcd: {  	s22 =	sshra.s32 @!p0 s22, $0x2;
	[tilespmem:s21+$0x19020] =	vst v1  }
0xce: {  	s23 =	simm.s32 @!p0 $0x6400;
	[tilespmem:s21+$0x19030] =	vst v2;
	s21 =	sadd.s32 @!p0 $0x258, s22;
	s22 =	simm.s32 @!p0 $0xC8  }
0xcf: {  	[tilespmem:s23], [sflag:$0x1] =	stream.indirect.gather @!p0 [hbm4b:s3+s22], $0x80, s21, s22, $0xb8;
	[tilespmem:$0x1D000] =	vst v63  }
.LBB2_17:
0xd0: {  	_ =	sfence.sel $0x180000  }
0xd1: {  	[bflag:$0x0] =	sbarrier.arrive $0xFFFF  }
0xd2: {  	p0 =	sne.s32 s0, $0x0;
	_ =	strace $0x90000047  }
0xd3: {  	s0 =	sadd.s32 @!p0 $0x100000, s1;
	[bflag:$0x2] =	sbarrier.arrive $0xFFFF  }
0xd4: {  	[sflag:s0] =	ssyncadd.tile.s32 @!p0 $0x1;
	_ =	shalt  }
.Lfunc_end2:
_tile_overlayer_lowered:
.L_overlay_start_2:
0xd5: {  	(tag) =	ssettag $0x2  }
0xd6: {  	s0 =	rddreg [dreg:$0x0];
	s2 =	stileid.u32  }
0xd7: {  	s1 =	rddreg [dreg:$0x1];
	p0 =	sne.s32 s2, $0x0  }
0xd8: {  	s3 =	rddreg [dreg:$0x2];
	[bflag:$0x3] =	sbarrier.arrive $0xFFFF;
	s2 =	simm.s32 @!p0 $0x1C04  }
0xd9: {  	[timem:s3], [sflag:s2] =	dma.local @!p0 [hbm:s0], s1  }
0xda: {  	s0 =	simm.s32 @!p0 $0x4  }
0xdb: {  	_ =	swait.ge @!p0 [sflag:s0], s1  }
0xdc: {  	s1 =	ssub.s32 @!p0 $0x0, s1;
	[sflag:s0] =	ssyncset.done @!p0 $0x0  }
0xdd: {  	[sflag:s0] =	ssyncadd.s32 @!p0 s1  }
0xde: {  	[bflag:$0x3] =	sbarrier.arrive $0xFFFF  }
0xdf: {  	_ =	shalt  }

</sc_bundles>
